<compile_context>
chip_gen: v7x
topology: tpu7x:2x2x1
jax: 0.10.2.dev20260603
libtpu: 0.0.44.dev20260713+nightly
codegen_flags: <defaults>
</compile_context>

<pallas_src>
import functools

import jax
import jax.numpy as jnp
from jax import lax
from jax.experimental import pallas as pl
from jax.experimental.pallas import tpu as pltpu
from jax.experimental.pallas import tpu_sc as plsc

QK_DIM = 32
TOPK = 16
N = 2048
BATCH = 8
BQ = 256
NSHARD = 4
SHARD = N // NSHARD
NCAND = NSHARD * TOPK
ROWS = BATCH * N


def _tc_shard_topk_kernel(q_ref, k_ref, val_ref, idx_ref):
    scale = QK_DIM ** (-0.5)
    q = q_ref[0] * jnp.float32(scale)
    k = k_ref[0]
    logits = jax.lax.dot_general(
        q, k, (((1,), (1,)), ((), ())),
        preferred_element_type=jnp.float32)
    neg = jnp.float32(-jnp.inf)
    vouts, iouts = [], []
    for s in range(NSHARD):
        sh = logits[:, s * SHARD:(s + 1) * SHARD]
        col = jax.lax.broadcasted_iota(jnp.int32, sh.shape, 1)
        for r in range(TOPK):
            m = jnp.max(sh, axis=1, keepdims=True)
            idx = jnp.argmax(sh, axis=1, keepdims=True)
            vouts.append(m)
            iouts.append(idx + s * SHARD)
            if r < TOPK - 1:
                sh = jnp.where(col == idx, neg, sh)
    val_ref[0] = jnp.concatenate(vouts, axis=1)
    idx_ref[0] = jnp.concatenate(iouts, axis=1)


def _tc_stage(query, key):
    grid = (BATCH, N // BQ)
    return pl.pallas_call(
        _tc_shard_topk_kernel,
        grid=grid,
        in_specs=[
            pl.BlockSpec((1, BQ, QK_DIM), lambda b, i: (b, i, 0)),
            pl.BlockSpec((1, N, QK_DIM), lambda b, i: (b, 0, 0)),
        ],
        out_specs=[
            pl.BlockSpec((1, BQ, NCAND), lambda b, i: (b, i, 0)),
            pl.BlockSpec((1, BQ, NCAND), lambda b, i: (b, i, 0)),
        ],
        out_shape=[
            jax.ShapeDtypeStruct((BATCH, N, NCAND), jnp.float32),
            jax.ShapeDtypeStruct((BATCH, N, NCAND), jnp.int32),
        ],
        compiler_params=pltpu.CompilerParams(
            dimension_semantics=("parallel", "parallel")),
    )(query, key)


def _merge16(av, ai, bv, bi):
    rbv = lax.rev(bv, (0,))
    rbi = lax.rev(bi, (0,))
    ge = av >= rbv
    cv = jnp.where(ge, av, rbv)
    ci = jnp.where(ge, ai, rbi)
    cv, ci = plsc.sort_key_val(cv, ci, descending=True)
    return cv, ci


def _make_sc_merge():
    info = plsc.get_sparse_core_info()
    nw = info.num_cores * info.num_subcores
    rpw = ROWS // nw
    mesh = plsc.VectorSubcoreMesh(core_axis_name="c", subcore_axis_name="s")

    chunk = 128

    @functools.partial(
        pl.kernel, mesh=mesh,
        out_type=jax.ShapeDtypeStruct((ROWS, TOPK), jnp.int32),
        compiler_params=pltpu.CompilerParams(needs_layout_passes=False),
        scratch_types=[
            pltpu.VMEM((chunk, NCAND), jnp.float32),
            pltpu.VMEM((chunk, NCAND), jnp.int32),
            pltpu.VMEM((chunk, TOPK), jnp.int32),
        ],
    )
    def _sc_merge(vals_hbm, idx_hbm, out_hbm, vals_v, idx_v, out_v):
        wid = lax.axis_index("s") * info.num_cores + lax.axis_index("c")
        base = wid * rpw

        def body(r, carry):
            lists = []
            for s in range(NSHARD):
                lists.append((vals_v[r, pl.ds(s * TOPK, TOPK)],
                              idx_v[r, pl.ds(s * TOPK, TOPK)]))
            (v0, i0), (v1, i1), (v2, i2), (v3, i3) = lists
            va, ia = _merge16(v0, i0, v1, i1)
            vb, ib = _merge16(v2, i2, v3, i3)
            _, iw = _merge16(va, ia, vb, ib)
            out_v[r, :] = iw
            return carry

        for c in range(rpw // chunk):
            cbase = base + c * chunk
            pltpu.sync_copy(vals_hbm.at[pl.ds(cbase, chunk)], vals_v)
            pltpu.sync_copy(idx_hbm.at[pl.ds(cbase, chunk)], idx_v)
            lax.fori_loop(0, chunk, body, 0)
            pltpu.sync_copy(out_v, out_hbm.at[pl.ds(cbase, chunk)])

    return _sc_merge


def kernel(query, key):
    cand_v, cand_i = _tc_stage(query, key)
    cv = cand_v.reshape(ROWS, NCAND)
    ci = cand_i.reshape(ROWS, NCAND)
    out = _make_sc_merge()(cv, ci)
    return out.reshape(BATCH, N, TOPK)

# --- scband reference (transcript-rebuilt; emitter-appended) ---
"""Pipeline reference for scband-topk-routing-23785528885337 (READ-ONLY COPY).

The authoritative reference and input builder live on the scoring server;
editing this copy changes nothing except your own understanding.
"""

import jax, jax.numpy as jnp
import numpy as np

QK_DIM = 32
TOPK = 16

def setup_inputs(seed: int = 0) -> dict:
    key = jax.random.key(seed)
    k1, k2 = jax.random.split(key)
    query = jax.random.normal(k1, (8, 2048, QK_DIM), dtype=jnp.float32)
    key_t = jax.random.normal(k2, (8, 2048, QK_DIM), dtype=jnp.float32)
    return {"query": query, "key": key_t}

def reference(query, key):
    scale = QK_DIM ** (-0.5)
    # query.detach(), key.detach() in torch -> stop_gradient in jax
    query_hat = jax.lax.stop_gradient(query)
    key_hat = jax.lax.stop_gradient(key)
    # (B, N, d) @ (B, d, N) -> (B, N, N)
    attn_logit = jnp.einsum('bnd,bmd->bnm', query_hat * scale, key_hat)
    topk_attn_logit, topk_index = jax.lax.top_k(attn_logit, TOPK)
    return topk_index

if __name__ == "__main__":
    import jax
    _d = setup_inputs()
    print(jax.jit(kernel)(*tuple(_d.values())))

</pallas_src>

<mosaic_0001>
#map = affine_map<(d0, d1) -> (0, 0)>
module attributes {stable_mosaic.version = 14 : i64} {
  func.func @_sc_merge(%arg0: i32, %arg1: i32, %arg2: memref<16384x64xf32, #tpu.memory_space<hbm>>, %arg3: memref<16384x64xi32, #tpu.memory_space<hbm>>, %arg4: memref<16384x16xi32, #tpu.memory_space<hbm>>, %arg5: memref<128x64xf32, #tpu.memory_space<vmem>>, %arg6: memref<128x64xi32, #tpu.memory_space<vmem>>, %arg7: memref<128x16xi32, #tpu.memory_space<vmem>>) attributes {dimension_semantics = [#tpu.dimension_semantics<core_parallel>, #tpu.dimension_semantics<subcore_parallel>], iteration_bounds = array<i64: 2, 16>, scalar_prefetch = 0 : i64, scratch_operands = 3 : i64, tpu.core_type = #tpu.core_type<sc_vector_subcore>, window_params = [{transform_indices = #map}, {transform_indices = #map}, {transform_indices = #map}]} {
    %mul3A = arith.constant 2 : i32
    %mul3A_0 = arith.muli %arg1, %mul3A : i32
    %add3A = arith.addi %mul3A_0, %arg0 : i32
    %mul3A_1 = arith.constant 512 : i32
    %mul3A_2 = arith.muli %add3A, %mul3A_1 : i32
    %add3A_3 = arith.constant 0 : i32
    %add3A_4 = arith.addi %mul3A_2, %add3A_3 : i32
    "tpu.region"() ({
      %run_scoped3A = tpu.sem_alloc : memref<!tpu.dma_semaphore, #tpu.memory_space<semaphore_mem>>
      %dma_start3A = arith.constant 0 : i32
      %dma_start3A_34 = tpu.memref_slice %arg2[%add3A_4, %dma_start3A] : memref<16384x64xf32, #tpu.memory_space<hbm>> -> memref<128x64xf32, #tpu.memory_space<hbm>>
      %dma_start3A_35 = arith.constant 0 : i32
      %dma_start3A_36 = tpu.memref_slice %arg2[%add3A_4, %dma_start3A_35] : memref<16384x64xf32, #tpu.memory_space<hbm>> -> memref<128x64xf32, #tpu.memory_space<hbm>>
      tpu.enqueue_dma source(%dma_start3A_36 : memref<128x64xf32, #tpu.memory_space<hbm>>) target(%arg5 : memref<128x64xf32, #tpu.memory_space<vmem>>) target_semaphore(%run_scoped3A : memref<!tpu.dma_semaphore, #tpu.memory_space<semaphore_mem>>)
      %dma_wait3A = arith.constant 0 : i32
      %dma_wait3A_37 = tpu.memref_slice %arg2[%add3A_4, %dma_wait3A] : memref<16384x64xf32, #tpu.memory_space<hbm>> -> memref<128x64xf32, #tpu.memory_space<hbm>>
      %dma_wait3A_38 = arith.constant 0 : i32
      %dma_wait3A_39 = tpu.memref_slice %arg2[%add3A_4, %dma_wait3A_38] : memref<16384x64xf32, #tpu.memory_space<hbm>> -> memref<128x64xf32, #tpu.memory_space<hbm>>
      tpu.wait_dma2 semaphore(%run_scoped3A : memref<!tpu.dma_semaphore, #tpu.memory_space<semaphore_mem>>) src(%dma_wait3A_39 : memref<128x64xf32, #tpu.memory_space<hbm>>) dst(%arg5 : memref<128x64xf32, #tpu.memory_space<vmem>>)
      tpu.yield
    }) : () -> ()
    "tpu.region"() ({
      %run_scoped3A = tpu.sem_alloc : memref<!tpu.dma_semaphore, #tpu.memory_space<semaphore_mem>>
      %dma_start3A = arith.constant 0 : i32
      %dma_start3A_34 = tpu.memref_slice %arg3[%add3A_4, %dma_start3A] : memref<16384x64xi32, #tpu.memory_space<hbm>> -> memref<128x64xi32, #tpu.memory_space<hbm>>
      %dma_start3A_35 = arith.constant 0 : i32
      %dma_start3A_36 = tpu.memref_slice %arg3[%add3A_4, %dma_start3A_35] : memref<16384x64xi32, #tpu.memory_space<hbm>> -> memref<128x64xi32, #tpu.memory_space<hbm>>
      tpu.enqueue_dma source(%dma_start3A_36 : memref<128x64xi32, #tpu.memory_space<hbm>>) target(%arg6 : memref<128x64xi32, #tpu.memory_space<vmem>>) target_semaphore(%run_scoped3A : memref<!tpu.dma_semaphore, #tpu.memory_space<semaphore_mem>>)
      %dma_wait3A = arith.constant 0 : i32
      %dma_wait3A_37 = tpu.memref_slice %arg3[%add3A_4, %dma_wait3A] : memref<16384x64xi32, #tpu.memory_space<hbm>> -> memref<128x64xi32, #tpu.memory_space<hbm>>
      %dma_wait3A_38 = arith.constant 0 : i32
      %dma_wait3A_39 = tpu.memref_slice %arg3[%add3A_4, %dma_wait3A_38] : memref<16384x64xi32, #tpu.memory_space<hbm>> -> memref<128x64xi32, #tpu.memory_space<hbm>>
      tpu.wait_dma2 semaphore(%run_scoped3A : memref<!tpu.dma_semaphore, #tpu.memory_space<semaphore_mem>>) src(%dma_wait3A_39 : memref<128x64xi32, #tpu.memory_space<hbm>>) dst(%arg6 : memref<128x64xi32, #tpu.memory_space<vmem>>)
      tpu.yield
    }) : () -> ()
    %scan3A = arith.constant 0 : i32
    %scan3A_5 = arith.constant 0 : i32
    %scan3A_6 = arith.constant 128 : i32
    %scan3A_7 = arith.addi %scan3A_5, %scan3A_6 : i32
    %scan3A_8 = arith.constant 1 : i32
    scf.for %scan3A_34 = %scan3A_5 to %scan3A_7 step %scan3A_8  : i32 {
      %get3A = arith.index_cast %scan3A_34 : i32 to index
      %get3A_35 = arith.constant 0 : index
      %get3A_36 = tpu.vector_load %arg5[%get3A, %get3A_35] {strides = array<i32>} : memref<128x64xf32, #tpu.memory_space<vmem>>, vector<16xf32>,
      %get3A_37 = arith.index_cast %scan3A_34 : i32 to index
      %get3A_38 = arith.constant 0 : index
      %get3A_39 = tpu.vector_load %arg6[%get3A_37, %get3A_38] {strides = array<i32>} : memref<128x64xi32, #tpu.memory_space<vmem>>, vector<16xi32>,
      %get3A_40 = arith.index_cast %scan3A_34 : i32 to index
      %get3A_41 = arith.constant 16 : index
      %get3A_42 = tpu.vector_load %arg5[%get3A_40, %get3A_41] {strides = array<i32>} : memref<128x64xf32, #tpu.memory_space<vmem>>, vector<16xf32>,
      %get3A_43 = arith.index_cast %scan3A_34 : i32 to index
      %get3A_44 = arith.constant 16 : index
      %get3A_45 = tpu.vector_load %arg6[%get3A_43, %get3A_44] {strides = array<i32>} : memref<128x64xi32, #tpu.memory_space<vmem>>, vector<16xi32>,
      %get3A_46 = arith.index_cast %scan3A_34 : i32 to index
      %get3A_47 = arith.constant 32 : index
      %get3A_48 = tpu.vector_load %arg5[%get3A_46, %get3A_47] {strides = array<i32>} : memref<128x64xf32, #tpu.memory_space<vmem>>, vector<16xf32>,
      %get3A_49 = arith.index_cast %scan3A_34 : i32 to index
      %get3A_50 = arith.constant 32 : index
      %get3A_51 = tpu.vector_load %arg6[%get3A_49, %get3A_50] {strides = array<i32>} : memref<128x64xi32, #tpu.memory_space<vmem>>, vector<16xi32>,
      %get3A_52 = arith.index_cast %scan3A_34 : i32 to index
      %get3A_53 = arith.constant 48 : index
      %get3A_54 = tpu.vector_load %arg5[%get3A_52, %get3A_53] {strides = array<i32>} : memref<128x64xf32, #tpu.memory_space<vmem>>, vector<16xf32>,
      %get3A_55 = arith.index_cast %scan3A_34 : i32 to index
      %get3A_56 = arith.constant 48 : index
      %get3A_57 = tpu.vector_load %arg6[%get3A_55, %get3A_56] {strides = array<i32>} : memref<128x64xi32, #tpu.memory_space<vmem>>, vector<16xi32>,
      %rev3A = arith.constant 15 : i32
      %rev3A_58 = vector.broadcast %rev3A : i32 to vector<16xi32>
      %rev3A_59 = tpu.iota {dimensions = array<i32: 0>} : vector<16xi32>
      %rev3A_60 = arith.subi %rev3A_58, %rev3A_59 : vector<16xi32>
      %rev3A_61 = tpu.dynamic_gather %get3A_42[%rev3A_60] in [0] : vector<16xf32>, vector<16xi32> -> vector<16xf32>
      %rev3A_62 = arith.constant 15 : i32
      %rev3A_63 = vector.broadcast %rev3A_62 : i32 to vector<16xi32>
      %rev3A_64 = tpu.iota {dimensions = array<i32: 0>} : vector<16xi32>
      %rev3A_65 = arith.subi %rev3A_63, %rev3A_64 : vector<16xi32>
      %rev3A_66 = tpu.dynamic_gather %get3A_45[%rev3A_65] in [0] : vector<16xi32>, vector<16xi32> -> vector<16xi32>
      %ge3A = arith.cmpf oge, %get3A_36, %rev3A_61 : vector<16xf32>
      %select_n3A = arith.select %ge3A, %get3A_36, %rev3A_61 : vector<16xi1>, vector<16xf32>
      %select_n3A_67 = arith.select %ge3A, %get3A_39, %rev3A_66 : vector<16xi1>, vector<16xi32>
      %masked_sort3A = arith.constant dense<true> : vector<16xi1>
      %masked_sort3A_68, %masked_sort3A_69, %masked_sort3A_70 = tpu.sort %select_n3A, %select_n3A_67 masked %masked_sort3A {descending = true} : (vector<16xf32>, vector<16xi32>, vector<16xi1>) -> (vector<16xi1>, vector<16xf32>, vector<16xi32>)
      %rev3A_71 = arith.constant 15 : i32
      %rev3A_72 = vector.broadcast %rev3A_71 : i32 to vector<16xi32>
      %rev3A_73 = tpu.iota {dimensions = array<i32: 0>} : vector<16xi32>
      %rev3A_74 = arith.subi %rev3A_72, %rev3A_73 : vector<16xi32>
      %rev3A_75 = tpu.dynamic_gather %get3A_54[%rev3A_74] in [0] : vector<16xf32>, vector<16xi32> -> vector<16xf32>
      %rev3A_76 = arith.constant 15 : i32
      %rev3A_77 = vector.broadcast %rev3A_76 : i32 to vector<16xi32>
      %rev3A_78 = tpu.iota {dimensions = array<i32: 0>} : vector<16xi32>
      %rev3A_79 = arith.subi %rev3A_77, %rev3A_78 : vector<16xi32>
      %rev3A_80 = tpu.dynamic_gather %get3A_57[%rev3A_79] in [0] : vector<16xi32>, vector<16xi32> -> vector<16xi32>
      %ge3A_81 = arith.cmpf oge, %get3A_48, %rev3A_75 : vector<16xf32>
      %select_n3A_82 = arith.select %ge3A_81, %get3A_48, %rev3A_75 : vector<16xi1>, vector<16xf32>
      %select_n3A_83 = arith.select %ge3A_81, %get3A_51, %rev3A_80 : vector<16xi1>, vector<16xi32>
      %masked_sort3A_84 = arith.constant dense<true> : vector<16xi1>
      %masked_sort3A_85, %masked_sort3A_86, %masked_sort3A_87 = tpu.sort %select_n3A_82, %select_n3A_83 masked %masked_sort3A_84 {descending = true} : (vector<16xf32>, vector<16xi32>, vector<16xi1>) -> (vector<16xi1>, vector<16xf32>, vector<16xi32>)
      %rev3A_88 = arith.constant 15 : i32
      %rev3A_89 = vector.broadcast %rev3A_88 : i32 to vector<16xi32>
      %rev3A_90 = tpu.iota {dimensions = array<i32: 0>} : vector<16xi32>
      %rev3A_91 = arith.subi %rev3A_89, %rev3A_90 : vector<16xi32>
      %rev3A_92 = tpu.dynamic_gather %masked_sort3A_86[%rev3A_91] in [0] : vector<16xf32>, vector<16xi32> -> vector<16xf32>
      %rev3A_93 = arith.constant 15 : i32
      %rev3A_94 = vector.broadcast %rev3A_93 : i32 to vector<16xi32>
      %rev3A_95 = tpu.iota {dimensions = array<i32: 0>} : vector<16xi32>
      %rev3A_96 = arith.subi %rev3A_94, %rev3A_95 : vector<16xi32>
      %rev3A_97 = tpu.dynamic_gather %masked_sort3A_87[%rev3A_96] in [0] : vector<16xi32>, vector<16xi32> -> vector<16xi32>
      %ge3A_98 = arith.cmpf oge, %masked_sort3A_69, %rev3A_92 : vector<16xf32>
      %select_n3A_99 = arith.select %ge3A_98, %masked_sort3A_69, %rev3A_92 : vector<16xi1>, vector<16xf32>
      %select_n3A_100 = arith.select %ge3A_98, %masked_sort3A_70, %rev3A_97 : vector<16xi1>, vector<16xi32>
      %masked_sort3A_101 = arith.constant dense<true> : vector<16xi1>
      %masked_sort3A_102, %masked_sort3A_103, %masked_sort3A_104 = tpu.sort %select_n3A_99, %select_n3A_100 masked %masked_sort3A_101 {descending = true} : (vector<16xf32>, vector<16xi32>, vector<16xi1>) -> (vector<16xi1>, vector<16xf32>, vector<16xi32>)
      %swap3A = arith.index_cast %scan3A_34 : i32 to index
      %swap3A_105 = arith.constant 0 : index
      %swap3A_106 = tpu.vector_load %arg7[%swap3A, %swap3A_105] {strides = array<i32>} : memref<128x16xi32, #tpu.memory_space<vmem>>, vector<16xi32>,
      tpu.vector_store %arg7[%swap3A, %swap3A_105], %masked_sort3A_104 {strides = array<i32>} : memref<128x16xi32, #tpu.memory_space<vmem>>, vector<16xi32>,
    }
    %scan3A_9 = arith.constant 128 : i32
    "tpu.region"() ({
      %run_scoped3A = tpu.sem_alloc : memref<!tpu.dma_semaphore, #tpu.memory_space<semaphore_mem>>
      %dma_start3A = arith.constant 0 : i32
      %dma_start3A_34 = tpu.memref_slice %arg4[%add3A_4, %dma_start3A] : memref<16384x16xi32, #tpu.memory_space<hbm>> -> memref<128x16xi32, #tpu.memory_space<hbm>>
      %dma_start3A_35 = arith.constant 0 : i32
      %dma_start3A_36 = tpu.memref_slice %arg4[%add3A_4, %dma_start3A_35] : memref<16384x16xi32, #tpu.memory_space<hbm>> -> memref<128x16xi32, #tpu.memory_space<hbm>>
      tpu.enqueue_dma source(%arg7 : memref<128x16xi32, #tpu.memory_space<vmem>>) target(%dma_start3A_36 : memref<128x16xi32, #tpu.memory_space<hbm>>) target_semaphore(%run_scoped3A : memref<!tpu.dma_semaphore, #tpu.memory_space<semaphore_mem>>)
      %dma_wait3A = arith.constant 0 : i32
      %dma_wait3A_37 = tpu.memref_slice %arg4[%add3A_4, %dma_wait3A] : memref<16384x16xi32, #tpu.memory_space<hbm>> -> memref<128x16xi32, #tpu.memory_space<hbm>>
      %dma_wait3A_38 = arith.constant 0 : i32
      %dma_wait3A_39 = tpu.memref_slice %arg4[%add3A_4, %dma_wait3A_38] : memref<16384x16xi32, #tpu.memory_space<hbm>> -> memref<128x16xi32, #tpu.memory_space<hbm>>
      tpu.wait_dma2 semaphore(%run_scoped3A : memref<!tpu.dma_semaphore, #tpu.memory_space<semaphore_mem>>) src(%arg7 : memref<128x16xi32, #tpu.memory_space<vmem>>) dst(%dma_wait3A_39 : memref<128x16xi32, #tpu.memory_space<hbm>>)
      tpu.yield
    }) : () -> ()
    %add3A_10 = arith.constant 128 : i32
    %add3A_11 = arith.addi %mul3A_2, %add3A_10 : i32
    "tpu.region"() ({
      %run_scoped3A = tpu.sem_alloc : memref<!tpu.dma_semaphore, #tpu.memory_space<semaphore_mem>>
      %dma_start3A = arith.constant 0 : i32
      %dma_start3A_34 = tpu.memref_slice %arg2[%add3A_11, %dma_start3A] : memref<16384x64xf32, #tpu.memory_space<hbm>> -> memref<128x64xf32, #tpu.memory_space<hbm>>
      %dma_start3A_35 = arith.constant 0 : i32
      %dma_start3A_36 = tpu.memref_slice %arg2[%add3A_11, %dma_start3A_35] : memref<16384x64xf32, #tpu.memory_space<hbm>> -> memref<128x64xf32, #tpu.memory_space<hbm>>
      tpu.enqueue_dma source(%dma_start3A_36 : memref<128x64xf32, #tpu.memory_space<hbm>>) target(%arg5 : memref<128x64xf32, #tpu.memory_space<vmem>>) target_semaphore(%run_scoped3A : memref<!tpu.dma_semaphore, #tpu.memory_space<semaphore_mem>>)
      %dma_wait3A = arith.constant 0 : i32
      %dma_wait3A_37 = tpu.memref_slice %arg2[%add3A_11, %dma_wait3A] : memref<16384x64xf32, #tpu.memory_space<hbm>> -> memref<128x64xf32, #tpu.memory_space<hbm>>
      %dma_wait3A_38 = arith.constant 0 : i32
      %dma_wait3A_39 = tpu.memref_slice %arg2[%add3A_11, %dma_wait3A_38] : memref<16384x64xf32, #tpu.memory_space<hbm>> -> memref<128x64xf32, #tpu.memory_space<hbm>>
      tpu.wait_dma2 semaphore(%run_scoped3A : memref<!tpu.dma_semaphore, #tpu.memory_space<semaphore_mem>>) src(%dma_wait3A_39 : memref<128x64xf32, #tpu.memory_space<hbm>>) dst(%arg5 : memref<128x64xf32, #tpu.memory_space<vmem>>)
      tpu.yield
    }) : () -> ()
    "tpu.region"() ({
      %run_scoped3A = tpu.sem_alloc : memref<!tpu.dma_semaphore, #tpu.memory_space<semaphore_mem>>
      %dma_start3A = arith.constant 0 : i32
      %dma_start3A_34 = tpu.memref_slice %arg3[%add3A_11, %dma_start3A] : memref<16384x64xi32, #tpu.memory_space<hbm>> -> memref<128x64xi32, #tpu.memory_space<hbm>>
      %dma_start3A_35 = arith.constant 0 : i32
      %dma_start3A_36 = tpu.memref_slice %arg3[%add3A_11, %dma_start3A_35] : memref<16384x64xi32, #tpu.memory_space<hbm>> -> memref<128x64xi32, #tpu.memory_space<hbm>>
      tpu.enqueue_dma source(%dma_start3A_36 : memref<128x64xi32, #tpu.memory_space<hbm>>) target(%arg6 : memref<128x64xi32, #tpu.memory_space<vmem>>) target_semaphore(%run_scoped3A : memref<!tpu.dma_semaphore, #tpu.memory_space<semaphore_mem>>)
      %dma_wait3A = arith.constant 0 : i32
      %dma_wait3A_37 = tpu.memref_slice %arg3[%add3A_11, %dma_wait3A] : memref<16384x64xi32, #tpu.memory_space<hbm>> -> memref<128x64xi32, #tpu.memory_space<hbm>>
      %dma_wait3A_38 = arith.constant 0 : i32
      %dma_wait3A_39 = tpu.memref_slice %arg3[%add3A_11, %dma_wait3A_38] : memref<16384x64xi32, #tpu.memory_space<hbm>> -> memref<128x64xi32, #tpu.memory_space<hbm>>
      tpu.wait_dma2 semaphore(%run_scoped3A : memref<!tpu.dma_semaphore, #tpu.memory_space<semaphore_mem>>) src(%dma_wait3A_39 : memref<128x64xi32, #tpu.memory_space<hbm>>) dst(%arg6 : memref<128x64xi32, #tpu.memory_space<vmem>>)
      tpu.yield
    }) : () -> ()
    %scan3A_12 = arith.constant 0 : i32
    %scan3A_13 = arith.constant 0 : i32
    %scan3A_14 = arith.constant 128 : i32
    %scan3A_15 = arith.addi %scan3A_13, %scan3A_14 : i32
    %scan3A_16 = arith.constant 1 : i32
    scf.for %scan3A_34 = %scan3A_13 to %scan3A_15 step %scan3A_16  : i32 {
      %get3A = arith.index_cast %scan3A_34 : i32 to index
      %get3A_35 = arith.constant 0 : index
      %get3A_36 = tpu.vector_load %arg5[%get3A, %get3A_35] {strides = array<i32>} : memref<128x64xf32, #tpu.memory_space<vmem>>, vector<16xf32>,
      %get3A_37 = arith.index_cast %scan3A_34 : i32 to index
      %get3A_38 = arith.constant 0 : index
      %get3A_39 = tpu.vector_load %arg6[%get3A_37, %get3A_38] {strides = array<i32>} : memref<128x64xi32, #tpu.memory_space<vmem>>, vector<16xi32>,
      %get3A_40 = arith.index_cast %scan3A_34 : i32 to index
      %get3A_41 = arith.constant 16 : index
      %get3A_42 = tpu.vector_load %arg5[%get3A_40, %get3A_41] {strides = array<i32>} : memref<128x64xf32, #tpu.memory_space<vmem>>, vector<16xf32>,
      %get3A_43 = arith.index_cast %scan3A_34 : i32 to index
      %get3A_44 = arith.constant 16 : index
      %get3A_45 = tpu.vector_load %arg6[%get3A_43, %get3A_44] {strides = array<i32>} : memref<128x64xi32, #tpu.memory_space<vmem>>, vector<16xi32>,
      %get3A_46 = arith.index_cast %scan3A_34 : i32 to index
      %get3A_47 = arith.constant 32 : index
      %get3A_48 = tpu.vector_load %arg5[%get3A_46, %get3A_47] {strides = array<i32>} : memref<128x64xf32, #tpu.memory_space<vmem>>, vector<16xf32>,
      %get3A_49 = arith.index_cast %scan3A_34 : i32 to index
      %get3A_50 = arith.constant 32 : index
      %get3A_51 = tpu.vector_load %arg6[%get3A_49, %get3A_50] {strides = array<i32>} : memref<128x64xi32, #tpu.memory_space<vmem>>, vector<16xi32>,
      %get3A_52 = arith.index_cast %scan3A_34 : i32 to index
      %get3A_53 = arith.constant 48 : index
      %get3A_54 = tpu.vector_load %arg5[%get3A_52, %get3A_53] {strides = array<i32>} : memref<128x64xf32, #tpu.memory_space<vmem>>, vector<16xf32>,
      %get3A_55 = arith.index_cast %scan3A_34 : i32 to index
      %get3A_56 = arith.constant 48 : index
      %get3A_57 = tpu.vector_load %arg6[%get3A_55, %get3A_56] {strides = array<i32>} : memref<128x64xi32, #tpu.memory_space<vmem>>, vector<16xi32>,
      %rev3A = arith.constant 15 : i32
      %rev3A_58 = vector.broadcast %rev3A : i32 to vector<16xi32>
      %rev3A_59 = tpu.iota {dimensions = array<i32: 0>} : vector<16xi32>
      %rev3A_60 = arith.subi %rev3A_58, %rev3A_59 : vector<16xi32>
      %rev3A_61 = tpu.dynamic_gather %get3A_42[%rev3A_60] in [0] : vector<16xf32>, vector<16xi32> -> vector<16xf32>
      %rev3A_62 = arith.constant 15 : i32
      %rev3A_63 = vector.broadcast %rev3A_62 : i32 to vector<16xi32>
      %rev3A_64 = tpu.iota {dimensions = array<i32: 0>} : vector<16xi32>
      %rev3A_65 = arith.subi %rev3A_63, %rev3A_64 : vector<16xi32>
      %rev3A_66 = tpu.dynamic_gather %get3A_45[%rev3A_65] in [0] : vector<16xi32>, vector<16xi32> -> vector<16xi32>
      %ge3A = arith.cmpf oge, %get3A_36, %rev3A_61 : vector<16xf32>
      %select_n3A = arith.select %ge3A, %get3A_36, %rev3A_61 : vector<16xi1>, vector<16xf32>
      %select_n3A_67 = arith.select %ge3A, %get3A_39, %rev3A_66 : vector<16xi1>, vector<16xi32>
      %masked_sort3A = arith.constant dense<true> : vector<16xi1>
      %masked_sort3A_68, %masked_sort3A_69, %masked_sort3A_70 = tpu.sort %select_n3A, %select_n3A_67 masked %masked_sort3A {descending = true} : (vector<16xf32>, vector<16xi32>, vector<16xi1>) -> (vector<16xi1>, vector<16xf32>, vector<16xi32>)
      %rev3A_71 = arith.constant 15 : i32
      %rev3A_72 = vector.broadcast %rev3A_71 : i32 to vector<16xi32>
      %rev3A_73 = tpu.iota {dimensions = array<i32: 0>} : vector<16xi32>
      %rev3A_74 = arith.subi %rev3A_72, %rev3A_73 : vector<16xi32>
      %rev3A_75 = tpu.dynamic_gather %get3A_54[%rev3A_74] in [0] : vector<16xf32>, vector<16xi32> -> vector<16xf32>
      %rev3A_76 = arith.constant 15 : i32
      %rev3A_77 = vector.broadcast %rev3A_76 : i32 to vector<16xi32>
      %rev3A_78 = tpu.iota {dimensions = array<i32: 0>} : vector<16xi32>
      %rev3A_79 = arith.subi %rev3A_77, %rev3A_78 : vector<16xi32>
      %rev3A_80 = tpu.dynamic_gather %get3A_57[%rev3A_79] in [0] : vector<16xi32>, vector<16xi32> -> vector<16xi32>
      %ge3A_81 = arith.cmpf oge, %get3A_48, %rev3A_75 : vector<16xf32>
      %select_n3A_82 = arith.select %ge3A_81, %get3A_48, %rev3A_75 : vector<16xi1>, vector<16xf32>
      %select_n3A_83 = arith.select %ge3A_81, %get3A_51, %rev3A_80 : vector<16xi1>, vector<16xi32>
      %masked_sort3A_84 = arith.constant dense<true> : vector<16xi1>
      %masked_sort3A_85, %masked_sort3A_86, %masked_sort3A_87 = tpu.sort %select_n3A_82, %select_n3A_83 masked %masked_sort3A_84 {descending = true} : (vector<16xf32>, vector<16xi32>, vector<16xi1>) -> (vector<16xi1>, vector<16xf32>, vector<16xi32>)
      %rev3A_88 = arith.constant 15 : i32
      %rev3A_89 = vector.broadcast %rev3A_88 : i32 to vector<16xi32>
      %rev3A_90 = tpu.iota {dimensions = array<i32: 0>} : vector<16xi32>
      %rev3A_91 = arith.subi %rev3A_89, %rev3A_90 : vector<16xi32>
      %rev3A_92 = tpu.dynamic_gather %masked_sort3A_86[%rev3A_91] in [0] : vector<16xf32>, vector<16xi32> -> vector<16xf32>
      %rev3A_93 = arith.constant 15 : i32
      %rev3A_94 = vector.broadcast %rev3A_93 : i32 to vector<16xi32>
      %rev3A_95 = tpu.iota {dimensions = array<i32: 0>} : vector<16xi32>
      %rev3A_96 = arith.subi %rev3A_94, %rev3A_95 : vector<16xi32>
      %rev3A_97 = tpu.dynamic_gather %masked_sort3A_87[%rev3A_96] in [0] : vector<16xi32>, vector<16xi32> -> vector<16xi32>
      %ge3A_98 = arith.cmpf oge, %masked_sort3A_69, %rev3A_92 : vector<16xf32>
      %select_n3A_99 = arith.select %ge3A_98, %masked_sort3A_69, %rev3A_92 : vector<16xi1>, vector<16xf32>
      %select_n3A_100 = arith.select %ge3A_98, %masked_sort3A_70, %rev3A_97 : vector<16xi1>, vector<16xi32>
      %masked_sort3A_101 = arith.constant dense<true> : vector<16xi1>
      %masked_sort3A_102, %masked_sort3A_103, %masked_sort3A_104 = tpu.sort %select_n3A_99, %select_n3A_100 masked %masked_sort3A_101 {descending = true} : (vector<16xf32>, vector<16xi32>, vector<16xi1>) -> (vector<16xi1>, vector<16xf32>, vector<16xi32>)
      %swap3A = arith.index_cast %scan3A_34 : i32 to index
      %swap3A_105 = arith.constant 0 : index
      %swap3A_106 = tpu.vector_load %arg7[%swap3A, %swap3A_105] {strides = array<i32>} : memref<128x16xi32, #tpu.memory_space<vmem>>, vector<16xi32>,
      tpu.vector_store %arg7[%swap3A, %swap3A_105], %masked_sort3A_104 {strides = array<i32>} : memref<128x16xi32, #tpu.memory_space<vmem>>, vector<16xi32>,
    }
    %scan3A_17 = arith.constant 128 : i32
    "tpu.region"() ({
      %run_scoped3A = tpu.sem_alloc : memref<!tpu.dma_semaphore, #tpu.memory_space<semaphore_mem>>
      %dma_start3A = arith.constant 0 : i32
      %dma_start3A_34 = tpu.memref_slice %arg4[%add3A_11, %dma_start3A] : memref<16384x16xi32, #tpu.memory_space<hbm>> -> memref<128x16xi32, #tpu.memory_space<hbm>>
      %dma_start3A_35 = arith.constant 0 : i32
      %dma_start3A_36 = tpu.memref_slice %arg4[%add3A_11, %dma_start3A_35] : memref<16384x16xi32, #tpu.memory_space<hbm>> -> memref<128x16xi32, #tpu.memory_space<hbm>>
      tpu.enqueue_dma source(%arg7 : memref<128x16xi32, #tpu.memory_space<vmem>>) target(%dma_start3A_36 : memref<128x16xi32, #tpu.memory_space<hbm>>) target_semaphore(%run_scoped3A : memref<!tpu.dma_semaphore, #tpu.memory_space<semaphore_mem>>)
      %dma_wait3A = arith.constant 0 : i32
      %dma_wait3A_37 = tpu.memref_slice %arg4[%add3A_11, %dma_wait3A] : memref<16384x16xi32, #tpu.memory_space<hbm>> -> memref<128x16xi32, #tpu.memory_space<hbm>>
      %dma_wait3A_38 = arith.constant 0 : i32
      %dma_wait3A_39 = tpu.memref_slice %arg4[%add3A_11, %dma_wait3A_38] : memref<16384x16xi32, #tpu.memory_space<hbm>> -> memref<128x16xi32, #tpu.memory_space<hbm>>
      tpu.wait_dma2 semaphore(%run_scoped3A : memref<!tpu.dma_semaphore, #tpu.memory_space<semaphore_mem>>) src(%arg7 : memref<128x16xi32, #tpu.memory_space<vmem>>) dst(%dma_wait3A_39 : memref<128x16xi32, #tpu.memory_space<hbm>>)
      tpu.yield
    }) : () -> ()
    %add3A_18 = arith.constant 256 : i32
    %add3A_19 = arith.addi %mul3A_2, %add3A_18 : i32
    "tpu.region"() ({
      %run_scoped3A = tpu.sem_alloc : memref<!tpu.dma_semaphore, #tpu.memory_space<semaphore_mem>>
      %dma_start3A = arith.constant 0 : i32
      %dma_start3A_34 = tpu.memref_slice %arg2[%add3A_19, %dma_start3A] : memref<16384x64xf32, #tpu.memory_space<hbm>> -> memref<128x64xf32, #tpu.memory_space<hbm>>
      %dma_start3A_35 = arith.constant 0 : i32
      %dma_start3A_36 = tpu.memref_slice %arg2[%add3A_19, %dma_start3A_35] : memref<16384x64xf32, #tpu.memory_space<hbm>> -> memref<128x64xf32, #tpu.memory_space<hbm>>
      tpu.enqueue_dma source(%dma_start3A_36 : memref<128x64xf32, #tpu.memory_space<hbm>>) target(%arg5 : memref<128x64xf32, #tpu.memory_space<vmem>>) target_semaphore(%run_scoped3A : memref<!tpu.dma_semaphore, #tpu.memory_space<semaphore_mem>>)
      %dma_wait3A = arith.constant 0 : i32
      %dma_wait3A_37 = tpu.memref_slice %arg2[%add3A_19, %dma_wait3A] : memref<16384x64xf32, #tpu.memory_space<hbm>> -> memref<128x64xf32, #tpu.memory_space<hbm>>
      %dma_wait3A_38 = arith.constant 0 : i32
      %dma_wait3A_39 = tpu.memref_slice %arg2[%add3A_19, %dma_wait3A_38] : memref<16384x64xf32, #tpu.memory_space<hbm>> -> memref<128x64xf32, #tpu.memory_space<hbm>>
      tpu.wait_dma2 semaphore(%run_scoped3A : memref<!tpu.dma_semaphore, #tpu.memory_space<semaphore_mem>>) src(%dma_wait3A_39 : memref<128x64xf32, #tpu.memory_space<hbm>>) dst(%arg5 : memref<128x64xf32, #tpu.memory_space<vmem>>)
      tpu.yield
    }) : () -> ()
    "tpu.region"() ({
      %run_scoped3A = tpu.sem_alloc : memref<!tpu.dma_semaphore, #tpu.memory_space<semaphore_mem>>
      %dma_start3A = arith.constant 0 : i32
      %dma_start3A_34 = tpu.memref_slice %arg3[%add3A_19, %dma_start3A] : memref<16384x64xi32, #tpu.memory_space<hbm>> -> memref<128x64xi32, #tpu.memory_space<hbm>>
      %dma_start3A_35 = arith.constant 0 : i32
      %dma_start3A_36 = tpu.memref_slice %arg3[%add3A_19, %dma_start3A_35] : memref<16384x64xi32, #tpu.memory_space<hbm>> -> memref<128x64xi32, #tpu.memory_space<hbm>>
      tpu.enqueue_dma source(%dma_start3A_36 : memref<128x64xi32, #tpu.memory_space<hbm>>) target(%arg6 : memref<128x64xi32, #tpu.memory_space<vmem>>) target_semaphore(%run_scoped3A : memref<!tpu.dma_semaphore, #tpu.memory_space<semaphore_mem>>)
      %dma_wait3A = arith.constant 0 : i32
      %dma_wait3A_37 = tpu.memref_slice %arg3[%add3A_19, %dma_wait3A] : memref<16384x64xi32, #tpu.memory_space<hbm>> -> memref<128x64xi32, #tpu.memory_space<hbm>>
      %dma_wait3A_38 = arith.constant 0 : i32
      %dma_wait3A_39 = tpu.memref_slice %arg3[%add3A_19, %dma_wait3A_38] : memref<16384x64xi32, #tpu.memory_space<hbm>> -> memref<128x64xi32, #tpu.memory_space<hbm>>
      tpu.wait_dma2 semaphore(%run_scoped3A : memref<!tpu.dma_semaphore, #tpu.memory_space<semaphore_mem>>) src(%dma_wait3A_39 : memref<128x64xi32, #tpu.memory_space<hbm>>) dst(%arg6 : memref<128x64xi32, #tpu.memory_space<vmem>>)
      tpu.yield
    }) : () -> ()
    %scan3A_20 = arith.constant 0 : i32
    %scan3A_21 = arith.constant 0 : i32
    %scan3A_22 = arith.constant 128 : i32
    %scan3A_23 = arith.addi %scan3A_21, %scan3A_22 : i32
    %scan3A_24 = arith.constant 1 : i32
    scf.for %scan3A_34 = %scan3A_21 to %scan3A_23 step %scan3A_24  : i32 {
      %get3A = arith.index_cast %scan3A_34 : i32 to index
      %get3A_35 = arith.constant 0 : index
      %get3A_36 = tpu.vector_load %arg5[%get3A, %get3A_35] {strides = array<i32>} : memref<128x64xf32, #tpu.memory_space<vmem>>, vector<16xf32>,
      %get3A_37 = arith.index_cast %scan3A_34 : i32 to index
      %get3A_38 = arith.constant 0 : index
      %get3A_39 = tpu.vector_load %arg6[%get3A_37, %get3A_38] {strides = array<i32>} : memref<128x64xi32, #tpu.memory_space<vmem>>, vector<16xi32>,
      %get3A_40 = arith.index_cast %scan3A_34 : i32 to index
      %get3A_41 = arith.constant 16 : index
      %get3A_42 = tpu.vector_load %arg5[%get3A_40, %get3A_41] {strides = array<i32>} : memref<128x64xf32, #tpu.memory_space<vmem>>, vector<16xf32>,
      %get3A_43 = arith.index_cast %scan3A_34 : i32 to index
      %get3A_44 = arith.constant 16 : index
      %get3A_45 = tpu.vector_load %arg6[%get3A_43, %get3A_44] {strides = array<i32>} : memref<128x64xi32, #tpu.memory_space<vmem>>, vector<16xi32>,
      %get3A_46 = arith.index_cast %scan3A_34 : i32 to index
      %get3A_47 = arith.constant 32 : index
      %get3A_48 = tpu.vector_load %arg5[%get3A_46, %get3A_47] {strides = array<i32>} : memref<128x64xf32, #tpu.memory_space<vmem>>, vector<16xf32>,
      %get3A_49 = arith.index_cast %scan3A_34 : i32 to index
      %get3A_50 = arith.constant 32 : index
      %get3A_51 = tpu.vector_load %arg6[%get3A_49, %get3A_50] {strides = array<i32>} : memref<128x64xi32, #tpu.memory_space<vmem>>, vector<16xi32>,
      %get3A_52 = arith.index_cast %scan3A_34 : i32 to index
      %get3A_53 = arith.constant 48 : index
      %get3A_54 = tpu.vector_load %arg5[%get3A_52, %get3A_53] {strides = array<i32>} : memref<128x64xf32, #tpu.memory_space<vmem>>, vector<16xf32>,
      %get3A_55 = arith.index_cast %scan3A_34 : i32 to index
      %get3A_56 = arith.constant 48 : index
      %get3A_57 = tpu.vector_load %arg6[%get3A_55, %get3A_56] {strides = array<i32>} : memref<128x64xi32, #tpu.memory_space<vmem>>, vector<16xi32>,
      %rev3A = arith.constant 15 : i32
      %rev3A_58 = vector.broadcast %rev3A : i32 to vector<16xi32>
      %rev3A_59 = tpu.iota {dimensions = array<i32: 0>} : vector<16xi32>
      %rev3A_60 = arith.subi %rev3A_58, %rev3A_59 : vector<16xi32>
      %rev3A_61 = tpu.dynamic_gather %get3A_42[%rev3A_60] in [0] : vector<16xf32>, vector<16xi32> -> vector<16xf32>
      %rev3A_62 = arith.constant 15 : i32
      %rev3A_63 = vector.broadcast %rev3A_62 : i32 to vector<16xi32>
      %rev3A_64 = tpu.iota {dimensions = array<i32: 0>} : vector<16xi32>
      %rev3A_65 = arith.subi %rev3A_63, %rev3A_64 : vector<16xi32>
      %rev3A_66 = tpu.dynamic_gather %get3A_45[%rev3A_65] in [0] : vector<16xi32>, vector<16xi32> -> vector<16xi32>
      %ge3A = arith.cmpf oge, %get3A_36, %rev3A_61 : vector<16xf32>
      %select_n3A = arith.select %ge3A, %get3A_36, %rev3A_61 : vector<16xi1>, vector<16xf32>
      %select_n3A_67 = arith.select %ge3A, %get3A_39, %rev3A_66 : vector<16xi1>, vector<16xi32>
      %masked_sort3A = arith.constant dense<true> : vector<16xi1>
      %masked_sort3A_68, %masked_sort3A_69, %masked_sort3A_70 = tpu.sort %select_n3A, %select_n3A_67 masked %masked_sort3A {descending = true} : (vector<16xf32>, vector<16xi32>, vector<16xi1>) -> (vector<16xi1>, vector<16xf32>, vector<16xi32>)
      %rev3A_71 = arith.constant 15 : i32
      %rev3A_72 = vector.broadcast %rev3A_71 : i32 to vector<16xi32>
      %rev3A_73 = tpu.iota {dimensions = array<i32: 0>} : vector<16xi32>
      %rev3A_74 = arith.subi %rev3A_72, %rev3A_73 : vector<16xi32>
      %rev3A_75 = tpu.dynamic_gather %get3A_54[%rev3A_74] in [0] : vector<16xf32>, vector<16xi32> -> vector<16xf32>
      %rev3A_76 = arith.constant 15 : i32
      %rev3A_77 = vector.broadcast %rev3A_76 : i32 to vector<16xi32>
      %rev3A_78 = tpu.iota {dimensions = array<i32: 0>} : vector<16xi32>
      %rev3A_79 = arith.subi %rev3A_77, %rev3A_78 : vector<16xi32>
      %rev3A_80 = tpu.dynamic_gather %get3A_57[%rev3A_79] in [0] : vector<16xi32>, vector<16xi32> -> vector<16xi32>
      %ge3A_81 = arith.cmpf oge, %get3A_48, %rev3A_75 : vector<16xf32>
      %select_n3A_82 = arith.select %ge3A_81, %get3A_48, %rev3A_75 : vector<16xi1>, vector<16xf32>
      %select_n3A_83 = arith.select %ge3A_81, %get3A_51, %rev3A_80 : vector<16xi1>, vector<16xi32>
      %masked_sort3A_84 = arith.constant dense<true> : vector<16xi1>
      %masked_sort3A_85, %masked_sort3A_86, %masked_sort3A_87 = tpu.sort %select_n3A_82, %select_n3A_83 masked %masked_sort3A_84 {descending = true} : (vector<16xf32>, vector<16xi32>, vector<16xi1>) -> (vector<16xi1>, vector<16xf32>, vector<16xi32>)
      %rev3A_88 = arith.constant 15 : i32
      %rev3A_89 = vector.broadcast %rev3A_88 : i32 to vector<16xi32>
      %rev3A_90 = tpu.iota {dimensions = array<i32: 0>} : vector<16xi32>
      %rev3A_91 = arith.subi %rev3A_89, %rev3A_90 : vector<16xi32>
      %rev3A_92 = tpu.dynamic_gather %masked_sort3A_86[%rev3A_91] in [0] : vector<16xf32>, vector<16xi32> -> vector<16xf32>
      %rev3A_93 = arith.constant 15 : i32
      %rev3A_94 = vector.broadcast %rev3A_93 : i32 to vector<16xi32>
      %rev3A_95 = tpu.iota {dimensions = array<i32: 0>} : vector<16xi32>
      %rev3A_96 = arith.subi %rev3A_94, %rev3A_95 : vector<16xi32>
      %rev3A_97 = tpu.dynamic_gather %masked_sort3A_87[%rev3A_96] in [0] : vector<16xi32>, vector<16xi32> -> vector<16xi32>
      %ge3A_98 = arith.cmpf oge, %masked_sort3A_69, %rev3A_92 : vector<16xf32>
      %select_n3A_99 = arith.select %ge3A_98, %masked_sort3A_69, %rev3A_92 : vector<16xi1>, vector<16xf32>
      %select_n3A_100 = arith.select %ge3A_98, %masked_sort3A_70, %rev3A_97 : vector<16xi1>, vector<16xi32>
      %masked_sort3A_101 = arith.constant dense<true> : vector<16xi1>
      %masked_sort3A_102, %masked_sort3A_103, %masked_sort3A_104 = tpu.sort %select_n3A_99, %select_n3A_100 masked %masked_sort3A_101 {descending = true} : (vector<16xf32>, vector<16xi32>, vector<16xi1>) -> (vector<16xi1>, vector<16xf32>, vector<16xi32>)
      %swap3A = arith.index_cast %scan3A_34 : i32 to index
      %swap3A_105 = arith.constant 0 : index
      %swap3A_106 = tpu.vector_load %arg7[%swap3A, %swap3A_105] {strides = array<i32>} : memref<128x16xi32, #tpu.memory_space<vmem>>, vector<16xi32>,
      tpu.vector_store %arg7[%swap3A, %swap3A_105], %masked_sort3A_104 {strides = array<i32>} : memref<128x16xi32, #tpu.memory_space<vmem>>, vector<16xi32>,
    }
    %scan3A_25 = arith.constant 128 : i32
    "tpu.region"() ({
      %run_scoped3A = tpu.sem_alloc : memref<!tpu.dma_semaphore, #tpu.memory_space<semaphore_mem>>
      %dma_start3A = arith.constant 0 : i32
      %dma_start3A_34 = tpu.memref_slice %arg4[%add3A_19, %dma_start3A] : memref<16384x16xi32, #tpu.memory_space<hbm>> -> memref<128x16xi32, #tpu.memory_space<hbm>>
      %dma_start3A_35 = arith.constant 0 : i32
      %dma_start3A_36 = tpu.memref_slice %arg4[%add3A_19, %dma_start3A_35] : memref<16384x16xi32, #tpu.memory_space<hbm>> -> memref<128x16xi32, #tpu.memory_space<hbm>>
      tpu.enqueue_dma source(%arg7 : memref<128x16xi32, #tpu.memory_space<vmem>>) target(%dma_start3A_36 : memref<128x16xi32, #tpu.memory_space<hbm>>) target_semaphore(%run_scoped3A : memref<!tpu.dma_semaphore, #tpu.memory_space<semaphore_mem>>)
      %dma_wait3A = arith.constant 0 : i32
      %dma_wait3A_37 = tpu.memref_slice %arg4[%add3A_19, %dma_wait3A] : memref<16384x16xi32, #tpu.memory_space<hbm>> -> memref<128x16xi32, #tpu.memory_space<hbm>>
      %dma_wait3A_38 = arith.constant 0 : i32
      %dma_wait3A_39 = tpu.memref_slice %arg4[%add3A_19, %dma_wait3A_38] : memref<16384x16xi32, #tpu.memory_space<hbm>> -> memref<128x16xi32, #tpu.memory_space<hbm>>
      tpu.wait_dma2 semaphore(%run_scoped3A : memref<!tpu.dma_semaphore, #tpu.memory_space<semaphore_mem>>) src(%arg7 : memref<128x16xi32, #tpu.memory_space<vmem>>) dst(%dma_wait3A_39 : memref<128x16xi32, #tpu.memory_space<hbm>>)
      tpu.yield
    }) : () -> ()
    %add3A_26 = arith.constant 384 : i32
    %add3A_27 = arith.addi %mul3A_2, %add3A_26 : i32
    "tpu.region"() ({
      %run_scoped3A = tpu.sem_alloc : memref<!tpu.dma_semaphore, #tpu.memory_space<semaphore_mem>>
      %dma_start3A = arith.constant 0 : i32
      %dma_start3A_34 = tpu.memref_slice %arg2[%add3A_27, %dma_start3A] : memref<16384x64xf32, #tpu.memory_space<hbm>> -> memref<128x64xf32, #tpu.memory_space<hbm>>
      %dma_start3A_35 = arith.constant 0 : i32
      %dma_start3A_36 = tpu.memref_slice %arg2[%add3A_27, %dma_start3A_35] : memref<16384x64xf32, #tpu.memory_space<hbm>> -> memref<128x64xf32, #tpu.memory_space<hbm>>
      tpu.enqueue_dma source(%dma_start3A_36 : memref<128x64xf32, #tpu.memory_space<hbm>>) target(%arg5 : memref<128x64xf32, #tpu.memory_space<vmem>>) target_semaphore(%run_scoped3A : memref<!tpu.dma_semaphore, #tpu.memory_space<semaphore_mem>>)
      %dma_wait3A = arith.constant 0 : i32
      %dma_wait3A_37 = tpu.memref_slice %arg2[%add3A_27, %dma_wait3A] : memref<16384x64xf32, #tpu.memory_space<hbm>> -> memref<128x64xf32, #tpu.memory_space<hbm>>
      %dma_wait3A_38 = arith.constant 0 : i32
      %dma_wait3A_39 = tpu.memref_slice %arg2[%add3A_27, %dma_wait3A_38] : memref<16384x64xf32, #tpu.memory_space<hbm>> -> memref<128x64xf32, #tpu.memory_space<hbm>>
      tpu.wait_dma2 semaphore(%run_scoped3A : memref<!tpu.dma_semaphore, #tpu.memory_space<semaphore_mem>>) src(%dma_wait3A_39 : memref<128x64xf32, #tpu.memory_space<hbm>>) dst(%arg5 : memref<128x64xf32, #tpu.memory_space<vmem>>)
      tpu.yield
    }) : () -> ()
    "tpu.region"() ({
      %run_scoped3A = tpu.sem_alloc : memref<!tpu.dma_semaphore, #tpu.memory_space<semaphore_mem>>
      %dma_start3A = arith.constant 0 : i32
      %dma_start3A_34 = tpu.memref_slice %arg3[%add3A_27, %dma_start3A] : memref<16384x64xi32, #tpu.memory_space<hbm>> -> memref<128x64xi32, #tpu.memory_space<hbm>>
      %dma_start3A_35 = arith.constant 0 : i32
      %dma_start3A_36 = tpu.memref_slice %arg3[%add3A_27, %dma_start3A_35] : memref<16384x64xi32, #tpu.memory_space<hbm>> -> memref<128x64xi32, #tpu.memory_space<hbm>>
      tpu.enqueue_dma source(%dma_start3A_36 : memref<128x64xi32, #tpu.memory_space<hbm>>) target(%arg6 : memref<128x64xi32, #tpu.memory_space<vmem>>) target_semaphore(%run_scoped3A : memref<!tpu.dma_semaphore, #tpu.memory_space<semaphore_mem>>)
      %dma_wait3A = arith.constant 0 : i32
      %dma_wait3A_37 = tpu.memref_slice %arg3[%add3A_27, %dma_wait3A] : memref<16384x64xi32, #tpu.memory_space<hbm>> -> memref<128x64xi32, #tpu.memory_space<hbm>>
      %dma_wait3A_38 = arith.constant 0 : i32
      %dma_wait3A_39 = tpu.memref_slice %arg3[%add3A_27, %dma_wait3A_38] : memref<16384x64xi32, #tpu.memory_space<hbm>> -> memref<128x64xi32, #tpu.memory_space<hbm>>
      tpu.wait_dma2 semaphore(%run_scoped3A : memref<!tpu.dma_semaphore, #tpu.memory_space<semaphore_mem>>) src(%dma_wait3A_39 : memref<128x64xi32, #tpu.memory_space<hbm>>) dst(%arg6 : memref<128x64xi32, #tpu.memory_space<vmem>>)
      tpu.yield
    }) : () -> ()
    %scan3A_28 = arith.constant 0 : i32
    %scan3A_29 = arith.constant 0 : i32
    %scan3A_30 = arith.constant 128 : i32
    %scan3A_31 = arith.addi %scan3A_29, %scan3A_30 : i32
    %scan3A_32 = arith.constant 1 : i32
    scf.for %scan3A_34 = %scan3A_29 to %scan3A_31 step %scan3A_32  : i32 {
      %get3A = arith.index_cast %scan3A_34 : i32 to index
      %get3A_35 = arith.constant 0 : index
      %get3A_36 = tpu.vector_load %arg5[%get3A, %get3A_35] {strides = array<i32>} : memref<128x64xf32, #tpu.memory_space<vmem>>, vector<16xf32>,
      %get3A_37 = arith.index_cast %scan3A_34 : i32 to index
      %get3A_38 = arith.constant 0 : index
      %get3A_39 = tpu.vector_load %arg6[%get3A_37, %get3A_38] {strides = array<i32>} : memref<128x64xi32, #tpu.memory_space<vmem>>, vector<16xi32>,
      %get3A_40 = arith.index_cast %scan3A_34 : i32 to index
      %get3A_41 = arith.constant 16 : index
      %get3A_42 = tpu.vector_load %arg5[%get3A_40, %get3A_41] {strides = array<i32>} : memref<128x64xf32, #tpu.memory_space<vmem>>, vector<16xf32>,
      %get3A_43 = arith.index_cast %scan3A_34 : i32 to index
      %get3A_44 = arith.constant 16 : index
      %get3A_45 = tpu.vector_load %arg6[%get3A_43, %get3A_44] {strides = array<i32>} : memref<128x64xi32, #tpu.memory_space<vmem>>, vector<16xi32>,
      %get3A_46 = arith.index_cast %scan3A_34 : i32 to index
      %get3A_47 = arith.constant 32 : index
      %get3A_48 = tpu.vector_load %arg5[%get3A_46, %get3A_47] {strides = array<i32>} : memref<128x64xf32, #tpu.memory_space<vmem>>, vector<16xf32>,
      %get3A_49 = arith.index_cast %scan3A_34 : i32 to index
      %get3A_50 = arith.constant 32 : index
      %get3A_51 = tpu.vector_load %arg6[%get3A_49, %get3A_50] {strides = array<i32>} : memref<128x64xi32, #tpu.memory_space<vmem>>, vector<16xi32>,
      %get3A_52 = arith.index_cast %scan3A_34 : i32 to index
      %get3A_53 = arith.constant 48 : index
      %get3A_54 = tpu.vector_load %arg5[%get3A_52, %get3A_53] {strides = array<i32>} : memref<128x64xf32, #tpu.memory_space<vmem>>, vector<16xf32>,
      %get3A_55 = arith.index_cast %scan3A_34 : i32 to index
      %get3A_56 = arith.constant 48 : index
      %get3A_57 = tpu.vector_load %arg6[%get3A_55, %get3A_56] {strides = array<i32>} : memref<128x64xi32, #tpu.memory_space<vmem>>, vector<16xi32>,
      %rev3A = arith.constant 15 : i32
      %rev3A_58 = vector.broadcast %rev3A : i32 to vector<16xi32>
      %rev3A_59 = tpu.iota {dimensions = array<i32: 0>} : vector<16xi32>
      %rev3A_60 = arith.subi %rev3A_58, %rev3A_59 : vector<16xi32>
      %rev3A_61 = tpu.dynamic_gather %get3A_42[%rev3A_60] in [0] : vector<16xf32>, vector<16xi32> -> vector<16xf32>
      %rev3A_62 = arith.constant 15 : i32
      %rev3A_63 = vector.broadcast %rev3A_62 : i32 to vector<16xi32>
      %rev3A_64 = tpu.iota {dimensions = array<i32: 0>} : vector<16xi32>
      %rev3A_65 = arith.subi %rev3A_63, %rev3A_64 : vector<16xi32>
      %rev3A_66 = tpu.dynamic_gather %get3A_45[%rev3A_65] in [0] : vector<16xi32>, vector<16xi32> -> vector<16xi32>
      %ge3A = arith.cmpf oge, %get3A_36, %rev3A_61 : vector<16xf32>
      %select_n3A = arith.select %ge3A, %get3A_36, %rev3A_61 : vector<16xi1>, vector<16xf32>
      %select_n3A_67 = arith.select %ge3A, %get3A_39, %rev3A_66 : vector<16xi1>, vector<16xi32>
      %masked_sort3A = arith.constant dense<true> : vector<16xi1>
      %masked_sort3A_68, %masked_sort3A_69, %masked_sort3A_70 = tpu.sort %select_n3A, %select_n3A_67 masked %masked_sort3A {descending = true} : (vector<16xf32>, vector<16xi32>, vector<16xi1>) -> (vector<16xi1>, vector<16xf32>, vector<16xi32>)
      %rev3A_71 = arith.constant 15 : i32
      %rev3A_72 = vector.broadcast %rev3A_71 : i32 to vector<16xi32>
      %rev3A_73 = tpu.iota {dimensions = array<i32: 0>} : vector<16xi32>
      %rev3A_74 = arith.subi %rev3A_72, %rev3A_73 : vector<16xi32>
      %rev3A_75 = tpu.dynamic_gather %get3A_54[%rev3A_74] in [0] : vector<16xf32>, vector<16xi32> -> vector<16xf32>
      %rev3A_76 = arith.constant 15 : i32
      %rev3A_77 = vector.broadcast %rev3A_76 : i32 to vector<16xi32>
      %rev3A_78 = tpu.iota {dimensions = array<i32: 0>} : vector<16xi32>
      %rev3A_79 = arith.subi %rev3A_77, %rev3A_78 : vector<16xi32>
      %rev3A_80 = tpu.dynamic_gather %get3A_57[%rev3A_79] in [0] : vector<16xi32>, vector<16xi32> -> vector<16xi32>
      %ge3A_81 = arith.cmpf oge, %get3A_48, %rev3A_75 : vector<16xf32>
      %select_n3A_82 = arith.select %ge3A_81, %get3A_48, %rev3A_75 : vector<16xi1>, vector<16xf32>
      %select_n3A_83 = arith.select %ge3A_81, %get3A_51, %rev3A_80 : vector<16xi1>, vector<16xi32>
      %masked_sort3A_84 = arith.constant dense<true> : vector<16xi1>
      %masked_sort3A_85, %masked_sort3A_86, %masked_sort3A_87 = tpu.sort %select_n3A_82, %select_n3A_83 masked %masked_sort3A_84 {descending = true} : (vector<16xf32>, vector<16xi32>, vector<16xi1>) -> (vector<16xi1>, vector<16xf32>, vector<16xi32>)
      %rev3A_88 = arith.constant 15 : i32
      %rev3A_89 = vector.broadcast %rev3A_88 : i32 to vector<16xi32>
      %rev3A_90 = tpu.iota {dimensions = array<i32: 0>} : vector<16xi32>
      %rev3A_91 = arith.subi %rev3A_89, %rev3A_90 : vector<16xi32>
      %rev3A_92 = tpu.dynamic_gather %masked_sort3A_86[%rev3A_91] in [0] : vector<16xf32>, vector<16xi32> -> vector<16xf32>
      %rev3A_93 = arith.constant 15 : i32
      %rev3A_94 = vector.broadcast %rev3A_93 : i32 to vector<16xi32>
      %rev3A_95 = tpu.iota {dimensions = array<i32: 0>} : vector<16xi32>
      %rev3A_96 = arith.subi %rev3A_94, %rev3A_95 : vector<16xi32>
      %rev3A_97 = tpu.dynamic_gather %masked_sort3A_87[%rev3A_96] in [0] : vector<16xi32>, vector<16xi32> -> vector<16xi32>
      %ge3A_98 = arith.cmpf oge, %masked_sort3A_69, %rev3A_92 : vector<16xf32>
      %select_n3A_99 = arith.select %ge3A_98, %masked_sort3A_69, %rev3A_92 : vector<16xi1>, vector<16xf32>
      %select_n3A_100 = arith.select %ge3A_98, %masked_sort3A_70, %rev3A_97 : vector<16xi1>, vector<16xi32>
      %masked_sort3A_101 = arith.constant dense<true> : vector<16xi1>
      %masked_sort3A_102, %masked_sort3A_103, %masked_sort3A_104 = tpu.sort %select_n3A_99, %select_n3A_100 masked %masked_sort3A_101 {descending = true} : (vector<16xf32>, vector<16xi32>, vector<16xi1>) -> (vector<16xi1>, vector<16xf32>, vector<16xi32>)
      %swap3A = arith.index_cast %scan3A_34 : i32 to index
      %swap3A_105 = arith.constant 0 : index
      %swap3A_106 = tpu.vector_load %arg7[%swap3A, %swap3A_105] {strides = array<i32>} : memref<128x16xi32, #tpu.memory_space<vmem>>, vector<16xi32>,
      tpu.vector_store %arg7[%swap3A, %swap3A_105], %masked_sort3A_104 {strides = array<i32>} : memref<128x16xi32, #tpu.memory_space<vmem>>, vector<16xi32>,
    }
    %scan3A_33 = arith.constant 128 : i32
    "tpu.region"() ({
      %run_scoped3A = tpu.sem_alloc : memref<!tpu.dma_semaphore, #tpu.memory_space<semaphore_mem>>
      %dma_start3A = arith.constant 0 : i32
      %dma_start3A_34 = tpu.memref_slice %arg4[%add3A_27, %dma_start3A] : memref<16384x16xi32, #tpu.memory_space<hbm>> -> memref<128x16xi32, #tpu.memory_space<hbm>>
      %dma_start3A_35 = arith.constant 0 : i32
      %dma_start3A_36 = tpu.memref_slice %arg4[%add3A_27, %dma_start3A_35] : memref<16384x16xi32, #tpu.memory_space<hbm>> -> memref<128x16xi32, #tpu.memory_space<hbm>>
      tpu.enqueue_dma source(%arg7 : memref<128x16xi32, #tpu.memory_space<vmem>>) target(%dma_start3A_36 : memref<128x16xi32, #tpu.memory_space<hbm>>) target_semaphore(%run_scoped3A : memref<!tpu.dma_semaphore, #tpu.memory_space<semaphore_mem>>)
      %dma_wait3A = arith.constant 0 : i32
      %dma_wait3A_37 = tpu.memref_slice %arg4[%add3A_27, %dma_wait3A] : memref<16384x16xi32, #tpu.memory_space<hbm>> -> memref<128x16xi32, #tpu.memory_space<hbm>>
      %dma_wait3A_38 = arith.constant 0 : i32
      %dma_wait3A_39 = tpu.memref_slice %arg4[%add3A_27, %dma_wait3A_38] : memref<16384x16xi32, #tpu.memory_space<hbm>> -> memref<128x16xi32, #tpu.memory_space<hbm>>
      tpu.wait_dma2 semaphore(%run_scoped3A : memref<!tpu.dma_semaphore, #tpu.memory_space<semaphore_mem>>) src(%arg7 : memref<128x16xi32, #tpu.memory_space<vmem>>) dst(%dma_wait3A_39 : memref<128x16xi32, #tpu.memory_space<hbm>>)
      tpu.yield
    }) : () -> ()
    return
  }
}

module attributes {stable_mosaic.version = 14 : i64} {
  func.func @_tc_shard_topk_kernel(%arg0: i32, %arg1: i32, %arg2: memref<1x256x32xf32, #tpu.memory_space<vmem>>, %arg3: memref<1x2048x32xf32, #tpu.memory_space<vmem>>, %arg4: memref<1x256x64xf32, #tpu.memory_space<vmem>>, %arg5: memref<1x256x64xi32, #tpu.memory_space<vmem>>) attributes {dimension_semantics = [#tpu.dimension_semantics<parallel>, #tpu.dimension_semantics<parallel>], iteration_bounds = array<i64: 8, 8>, scalar_prefetch = 0 : i64, scratch_operands = 0 : i64, tpu.core_type = #tpu.core_type<tc>, window_params = [{transform_indices = @transform_0, window_bounds = array<i64: 1, 256, 32>}, {transform_indices = @transform_1, window_bounds = array<i64: 1, 2048, 32>}, {transform_indices = @transform_2, window_bounds = array<i64: 1, 256, 64>}, {transform_indices = @transform_3, window_bounds = array<i64: 1, 256, 64>}]} {
    %get3A = arith.constant 0 : index
    %get3A_0 = arith.constant 0 : index
    %get3A_1 = arith.constant 0 : index
    %get3A_2 = vector.load %arg2[%get3A, %get3A_0, %get3A_1] : memref<1x256x32xf32, #tpu.memory_space<vmem>>, vector<1x256x32xf32>
    %get3A_3 = vector.shape_cast %get3A_2 : vector<1x256x32xf32> to vector<256x32xf32>
    %mul3A = arith.constant 0.176776692 : f32
    %mul3A_4 = vector.broadcast %mul3A : f32 to vector<256x32xf32>
    %mul3A_5 = arith.mulf %get3A_3, %mul3A_4 : vector<256x32xf32>
    %get3A_6 = arith.constant 0 : index
    %get3A_7 = arith.constant 0 : index
    %get3A_8 = arith.constant 0 : index
    %get3A_9 = vector.load %arg3[%get3A_6, %get3A_7, %get3A_8] : memref<1x2048x32xf32, #tpu.memory_space<vmem>>, vector<1x2048x32xf32>
    %get3A_10 = vector.shape_cast %get3A_9 : vector<1x2048x32xf32> to vector<2048x32xf32>
    %dot_general3A = arith.constant dense<0.000000e+00> : vector<256x2048xf32>
    %dot_general3A_11 = tpu.matmul %mul3A_5, %get3A_10, %dot_general3A {dimension_numbers = #tpu.dot_dimension_numbers<[1], [1], [0], [0], [0, 0, 1, 0], [], []>, transpose_lhs_hint = false} : vector<256x32xf32>, vector<2048x32xf32>, vector<256x2048xf32> -> vector<256x2048xf32>
    %slice3A = vector.extract_strided_slice %dot_general3A_11 {offsets = [0, 0], sizes = [256, 512], strides = [1, 1]} : vector<256x2048xf32> to vector<256x512xf32>
    %iota3A = tpu.iota {dimensions = array<i32: 1>} : vector<256x512xi32>
    %reduce_max3A = arith.constant dense<0xFF800000> : vector<256xf32>
    %reduce_max3A_12 = vector.multi_reduction <maximumf>, %slice3A, %reduce_max3A [1] : vector<256x512xf32> to vector<256xf32>
    %broadcast_in_dim3A = vector.shape_cast %reduce_max3A_12 : vector<256xf32> to vector<256x1xf32>
    %argmax3A = tpu.reduce_index %slice3A {axis = 1 : i32, kind = #tpu.reduction_kind<arg_max>} : vector<256x512xf32> -> vector<256xi32>
    %broadcast_in_dim3A_13 = vector.shape_cast %argmax3A : vector<256xi32> to vector<256x1xi32>
    %add3A = arith.constant 0 : i32
    %add3A_14 = vector.broadcast %add3A : i32 to vector<256x1xi32>
    %add3A_15 = arith.addi %broadcast_in_dim3A_13, %add3A_14 : vector<256x1xi32>
    %eq3A = vector.broadcast %broadcast_in_dim3A_13 : vector<256x1xi32> to vector<256x512xi32>
    %eq3A_16 = arith.cmpi eq, %iota3A, %eq3A : vector<256x512xi32>
    %jit3A = arith.constant 0xFF800000 : f32
    %broadcast_in_dim3A_17 = vector.broadcast %jit3A : f32 to vector<256x512xf32>
    %select_n3A = arith.select %eq3A_16, %broadcast_in_dim3A_17, %slice3A : vector<256x512xi1>, vector<256x512xf32>
    %reduce_max3A_18 = arith.constant dense<0xFF800000> : vector<256xf32>
    %reduce_max3A_19 = vector.multi_reduction <maximumf>, %select_n3A, %reduce_max3A_18 [1] : vector<256x512xf32> to vector<256xf32>
    %broadcast_in_dim3A_20 = vector.shape_cast %reduce_max3A_19 : vector<256xf32> to vector<256x1xf32>
    %argmax3A_21 = tpu.reduce_index %select_n3A {axis = 1 : i32, kind = #tpu.reduction_kind<arg_max>} : vector<256x512xf32> -> vector<256xi32>
    %broadcast_in_dim3A_22 = vector.shape_cast %argmax3A_21 : vector<256xi32> to vector<256x1xi32>
    %add3A_23 = arith.constant 0 : i32
    %add3A_24 = vector.broadcast %add3A_23 : i32 to vector<256x1xi32>
    %add3A_25 = arith.addi %broadcast_in_dim3A_22, %add3A_24 : vector<256x1xi32>
    %eq3A_26 = vector.broadcast %broadcast_in_dim3A_22 : vector<256x1xi32> to vector<256x512xi32>
    %eq3A_27 = arith.cmpi eq, %iota3A, %eq3A_26 : vector<256x512xi32>
    %jit3A_28 = arith.constant 0xFF800000 : f32
    %broadcast_in_dim3A_29 = vector.broadcast %jit3A_28 : f32 to vector<256x512xf32>
    %select_n3A_30 = arith.select %eq3A_27, %broadcast_in_dim3A_29, %select_n3A : vector<256x512xi1>, vector<256x512xf32>
    %reduce_max3A_31 = arith.constant dense<0xFF800000> : vector<256xf32>
    %reduce_max3A_32 = vector.multi_reduction <maximumf>, %select_n3A_30, %reduce_max3A_31 [1] : vector<256x512xf32> to vector<256xf32>
    %broadcast_in_dim3A_33 = vector.shape_cast %reduce_max3A_32 : vector<256xf32> to vector<256x1xf32>
    %argmax3A_34 = tpu.reduce_index %select_n3A_30 {axis = 1 : i32, kind = #tpu.reduction_kind<arg_max>} : vector<256x512xf32> -> vector<256xi32>
    %broadcast_in_dim3A_35 = vector.shape_cast %argmax3A_34 : vector<256xi32> to vector<256x1xi32>
    %add3A_36 = arith.constant 0 : i32
    %add3A_37 = vector.broadcast %add3A_36 : i32 to vector<256x1xi32>
    %add3A_38 = arith.addi %broadcast_in_dim3A_35, %add3A_37 : vector<256x1xi32>
    %eq3A_39 = vector.broadcast %broadcast_in_dim3A_35 : vector<256x1xi32> to vector<256x512xi32>
    %eq3A_40 = arith.cmpi eq, %iota3A, %eq3A_39 : vector<256x512xi32>
    %jit3A_41 = arith.constant 0xFF800000 : f32
    %broadcast_in_dim3A_42 = vector.broadcast %jit3A_41 : f32 to vector<256x512xf32>
    %select_n3A_43 = arith.select %eq3A_40, %broadcast_in_dim3A_42, %select_n3A_30 : vector<256x512xi1>, vector<256x512xf32>
    %reduce_max3A_44 = arith.constant dense<0xFF800000> : vector<256xf32>
    %reduce_max3A_45 = vector.multi_reduction <maximumf>, %select_n3A_43, %reduce_max3A_44 [1] : vector<256x512xf32> to vector<256xf32>
    %broadcast_in_dim3A_46 = vector.shape_cast %reduce_max3A_45 : vector<256xf32> to vector<256x1xf32>
    %argmax3A_47 = tpu.reduce_index %select_n3A_43 {axis = 1 : i32, kind = #tpu.reduction_kind<arg_max>} : vector<256x512xf32> -> vector<256xi32>
    %broadcast_in_dim3A_48 = vector.shape_cast %argmax3A_47 : vector<256xi32> to vector<256x1xi32>
    %add3A_49 = arith.constant 0 : i32
    %add3A_50 = vector.broadcast %add3A_49 : i32 to vector<256x1xi32>
    %add3A_51 = arith.addi %broadcast_in_dim3A_48, %add3A_50 : vector<256x1xi32>
    %eq3A_52 = vector.broadcast %broadcast_in_dim3A_48 : vector<256x1xi32> to vector<256x512xi32>
    %eq3A_53 = arith.cmpi eq, %iota3A, %eq3A_52 : vector<256x512xi32>
    %jit3A_54 = arith.constant 0xFF800000 : f32
    %broadcast_in_dim3A_55 = vector.broadcast %jit3A_54 : f32 to vector<256x512xf32>
    %select_n3A_56 = arith.select %eq3A_53, %broadcast_in_dim3A_55, %select_n3A_43 : vector<256x512xi1>, vector<256x512xf32>
    %reduce_max3A_57 = arith.constant dense<0xFF800000> : vector<256xf32>
    %reduce_max3A_58 = vector.multi_reduction <maximumf>, %select_n3A_56, %reduce_max3A_57 [1] : vector<256x512xf32> to vector<256xf32>
    %broadcast_in_dim3A_59 = vector.shape_cast %reduce_max3A_58 : vector<256xf32> to vector<256x1xf32>
    %argmax3A_60 = tpu.reduce_index %select_n3A_56 {axis = 1 : i32, kind = #tpu.reduction_kind<arg_max>} : vector<256x512xf32> -> vector<256xi32>
    %broadcast_in_dim3A_61 = vector.shape_cast %argmax3A_60 : vector<256xi32> to vector<256x1xi32>
    %add3A_62 = arith.constant 0 : i32
    %add3A_63 = vector.broadcast %add3A_62 : i32 to vector<256x1xi32>
    %add3A_64 = arith.addi %broadcast_in_dim3A_61, %add3A_63 : vector<256x1xi32>
    %eq3A_65 = vector.broadcast %broadcast_in_dim3A_61 : vector<256x1xi32> to vector<256x512xi32>
    %eq3A_66 = arith.cmpi eq, %iota3A, %eq3A_65 : vector<256x512xi32>
    %jit3A_67 = arith.constant 0xFF800000 : f32
    %broadcast_in_dim3A_68 = vector.broadcast %jit3A_67 : f32 to vector<256x512xf32>
    %select_n3A_69 = arith.select %eq3A_66, %broadcast_in_dim3A_68, %select_n3A_56 : vector<256x512xi1>, vector<256x512xf32>
    %reduce_max3A_70 = arith.constant dense<0xFF800000> : vector<256xf32>
    %reduce_max3A_71 = vector.multi_reduction <maximumf>, %select_n3A_69, %reduce_max3A_70 [1] : vector<256x512xf32> to vector<256xf32>
    %broadcast_in_dim3A_72 = vector.shape_cast %reduce_max3A_71 : vector<256xf32> to vector<256x1xf32>
    %argmax3A_73 = tpu.reduce_index %select_n3A_69 {axis = 1 : i32, kind = #tpu.reduction_kind<arg_max>} : vector<256x512xf32> -> vector<256xi32>
    %broadcast_in_dim3A_74 = vector.shape_cast %argmax3A_73 : vector<256xi32> to vector<256x1xi32>
    %add3A_75 = arith.constant 0 : i32
    %add3A_76 = vector.broadcast %add3A_75 : i32 to vector<256x1xi32>
    %add3A_77 = arith.addi %broadcast_in_dim3A_74, %add3A_76 : vector<256x1xi32>
    %eq3A_78 = vector.broadcast %broadcast_in_dim3A_74 : vector<256x1xi32> to vector<256x512xi32>
    %eq3A_79 = arith.cmpi eq, %iota3A, %eq3A_78 : vector<256x512xi32>
    %jit3A_80 = arith.constant 0xFF800000 : f32
    %broadcast_in_dim3A_81 = vector.broadcast %jit3A_80 : f32 to vector<256x512xf32>
    %select_n3A_82 = arith.select %eq3A_79, %broadcast_in_dim3A_81, %select_n3A_69 : vector<256x512xi1>, vector<256x512xf32>
    %reduce_max3A_83 = arith.constant dense<0xFF800000> : vector<256xf32>
    %reduce_max3A_84 = vector.multi_reduction <maximumf>, %select_n3A_82, %reduce_max3A_83 [1] : vector<256x512xf32> to vector<256xf32>
    %broadcast_in_dim3A_85 = vector.shape_cast %reduce_max3A_84 : vector<256xf32> to vector<256x1xf32>
    %argmax3A_86 = tpu.reduce_index %select_n3A_82 {axis = 1 : i32, kind = #tpu.reduction_kind<arg_max>} : vector<256x512xf32> -> vector<256xi32>
    %broadcast_in_dim3A_87 = vector.shape_cast %argmax3A_86 : vector<256xi32> to vector<256x1xi32>
    %add3A_88 = arith.constant 0 : i32
    %add3A_89 = vector.broadcast %add3A_88 : i32 to vector<256x1xi32>
    %add3A_90 = arith.addi %broadcast_in_dim3A_87, %add3A_89 : vector<256x1xi32>
    %eq3A_91 = vector.broadcast %broadcast_in_dim3A_87 : vector<256x1xi32> to vector<256x512xi32>
    %eq3A_92 = arith.cmpi eq, %iota3A, %eq3A_91 : vector<256x512xi32>
    %jit3A_93 = arith.constant 0xFF800000 : f32
    %broadcast_in_dim3A_94 = vector.broadcast %jit3A_93 : f32 to vector<256x512xf32>
    %select_n3A_95 = arith.select %eq3A_92, %broadcast_in_dim3A_94, %select_n3A_82 : vector<256x512xi1>, vector<256x512xf32>
    %reduce_max3A_96 = arith.constant dense<0xFF800000> : vector<256xf32>
    %reduce_max3A_97 = vector.multi_reduction <maximumf>, %select_n3A_95, %reduce_max3A_96 [1] : vector<256x512xf32> to vector<256xf32>
    %broadcast_in_dim3A_98 = vector.shape_cast %reduce_max3A_97 : vector<256xf32> to vector<256x1xf32>
    %argmax3A_99 = tpu.reduce_index %select_n3A_95 {axis = 1 : i32, kind = #tpu.reduction_kind<arg_max>} : vector<256x512xf32> -> vector<256xi32>
    %broadcast_in_dim3A_100 = vector.shape_cast %argmax3A_99 : vector<256xi32> to vector<256x1xi32>
    %add3A_101 = arith.constant 0 : i32
    %add3A_102 = vector.broadcast %add3A_101 : i32 to vector<256x1xi32>
    %add3A_103 = arith.addi %broadcast_in_dim3A_100, %add3A_102 : vector<256x1xi32>
    %eq3A_104 = vector.broadcast %broadcast_in_dim3A_100 : vector<256x1xi32> to vector<256x512xi32>
    %eq3A_105 = arith.cmpi eq, %iota3A, %eq3A_104 : vector<256x512xi32>
    %jit3A_106 = arith.constant 0xFF800000 : f32
    %broadcast_in_dim3A_107 = vector.broadcast %jit3A_106 : f32 to vector<256x512xf32>
    %select_n3A_108 = arith.select %eq3A_105, %broadcast_in_dim3A_107, %select_n3A_95 : vector<256x512xi1>, vector<256x512xf32>
    %reduce_max3A_109 = arith.constant dense<0xFF800000> : vector<256xf32>
    %reduce_max3A_110 = vector.multi_reduction <maximumf>, %select_n3A_108, %reduce_max3A_109 [1] : vector<256x512xf32> to vector<256xf32>
    %broadcast_in_dim3A_111 = vector.shape_cast %reduce_max3A_110 : vector<256xf32> to vector<256x1xf32>
    %argmax3A_112 = tpu.reduce_index %select_n3A_108 {axis = 1 : i32, kind = #tpu.reduction_kind<arg_max>} : vector<256x512xf32> -> vector<256xi32>
    %broadcast_in_dim3A_113 = vector.shape_cast %argmax3A_112 : vector<256xi32> to vector<256x1xi32>
    %add3A_114 = arith.constant 0 : i32
    %add3A_115 = vector.broadcast %add3A_114 : i32 to vector<256x1xi32>
    %add3A_116 = arith.addi %broadcast_in_dim3A_113, %add3A_115 : vector<256x1xi32>
    %eq3A_117 = vector.broadcast %broadcast_in_dim3A_113 : vector<256x1xi32> to vector<256x512xi32>
    %eq3A_118 = arith.cmpi eq, %iota3A, %eq3A_117 : vector<256x512xi32>
    %jit3A_119 = arith.constant 0xFF800000 : f32
    %broadcast_in_dim3A_120 = vector.broadcast %jit3A_119 : f32 to vector<256x512xf32>
    %select_n3A_121 = arith.select %eq3A_118, %broadcast_in_dim3A_120, %select_n3A_108 : vector<256x512xi1>, vector<256x512xf32>
    %reduce_max3A_122 = arith.constant dense<0xFF800000> : vector<256xf32>
    %reduce_max3A_123 = vector.multi_reduction <maximumf>, %select_n3A_121, %reduce_max3A_122 [1] : vector<256x512xf32> to vector<256xf32>
    %broadcast_in_dim3A_124 = vector.shape_cast %reduce_max3A_123 : vector<256xf32> to vector<256x1xf32>
    %argmax3A_125 = tpu.reduce_index %select_n3A_121 {axis = 1 : i32, kind = #tpu.reduction_kind<arg_max>} : vector<256x512xf32> -> vector<256xi32>
    %broadcast_in_dim3A_126 = vector.shape_cast %argmax3A_125 : vector<256xi32> to vector<256x1xi32>
    %add3A_127 = arith.constant 0 : i32
    %add3A_128 = vector.broadcast %add3A_127 : i32 to vector<256x1xi32>
    %add3A_129 = arith.addi %broadcast_in_dim3A_126, %add3A_128 : vector<256x1xi32>
    %eq3A_130 = vector.broadcast %broadcast_in_dim3A_126 : vector<256x1xi32> to vector<256x512xi32>
    %eq3A_131 = arith.cmpi eq, %iota3A, %eq3A_130 : vector<256x512xi32>
    %jit3A_132 = arith.constant 0xFF800000 : f32
    %broadcast_in_dim3A_133 = vector.broadcast %jit3A_132 : f32 to vector<256x512xf32>
    %select_n3A_134 = arith.select %eq3A_131, %broadcast_in_dim3A_133, %select_n3A_121 : vector<256x512xi1>, vector<256x512xf32>
    %reduce_max3A_135 = arith.constant dense<0xFF800000> : vector<256xf32>
    %reduce_max3A_136 = vector.multi_reduction <maximumf>, %select_n3A_134, %reduce_max3A_135 [1] : vector<256x512xf32> to vector<256xf32>
    %broadcast_in_dim3A_137 = vector.shape_cast %reduce_max3A_136 : vector<256xf32> to vector<256x1xf32>
    %argmax3A_138 = tpu.reduce_index %select_n3A_134 {axis = 1 : i32, kind = #tpu.reduction_kind<arg_max>} : vector<256x512xf32> -> vector<256xi32>
    %broadcast_in_dim3A_139 = vector.shape_cast %argmax3A_138 : vector<256xi32> to vector<256x1xi32>
    %add3A_140 = arith.constant 0 : i32
    %add3A_141 = vector.broadcast %add3A_140 : i32 to vector<256x1xi32>
    %add3A_142 = arith.addi %broadcast_in_dim3A_139, %add3A_141 : vector<256x1xi32>
    %eq3A_143 = vector.broadcast %broadcast_in_dim3A_139 : vector<256x1xi32> to vector<256x512xi32>
    %eq3A_144 = arith.cmpi eq, %iota3A, %eq3A_143 : vector<256x512xi32>
    %jit3A_145 = arith.constant 0xFF800000 : f32
    %broadcast_in_dim3A_146 = vector.broadcast %jit3A_145 : f32 to vector<256x512xf32>
    %select_n3A_147 = arith.select %eq3A_144, %broadcast_in_dim3A_146, %select_n3A_134 : vector<256x512xi1>, vector<256x512xf32>
    %reduce_max3A_148 = arith.constant dense<0xFF800000> : vector<256xf32>
    %reduce_max3A_149 = vector.multi_reduction <maximumf>, %select_n3A_147, %reduce_max3A_148 [1] : vector<256x512xf32> to vector<256xf32>
    %broadcast_in_dim3A_150 = vector.shape_cast %reduce_max3A_149 : vector<256xf32> to vector<256x1xf32>
    %argmax3A_151 = tpu.reduce_index %select_n3A_147 {axis = 1 : i32, kind = #tpu.reduction_kind<arg_max>} : vector<256x512xf32> -> vector<256xi32>
    %broadcast_in_dim3A_152 = vector.shape_cast %argmax3A_151 : vector<256xi32> to vector<256x1xi32>
    %add3A_153 = arith.constant 0 : i32
    %add3A_154 = vector.broadcast %add3A_153 : i32 to vector<256x1xi32>
    %add3A_155 = arith.addi %broadcast_in_dim3A_152, %add3A_154 : vector<256x1xi32>
    %eq3A_156 = vector.broadcast %broadcast_in_dim3A_152 : vector<256x1xi32> to vector<256x512xi32>
    %eq3A_157 = arith.cmpi eq, %iota3A, %eq3A_156 : vector<256x512xi32>
    %jit3A_158 = arith.constant 0xFF800000 : f32
    %broadcast_in_dim3A_159 = vector.broadcast %jit3A_158 : f32 to vector<256x512xf32>
    %select_n3A_160 = arith.select %eq3A_157, %broadcast_in_dim3A_159, %select_n3A_147 : vector<256x512xi1>, vector<256x512xf32>
    %reduce_max3A_161 = arith.constant dense<0xFF800000> : vector<256xf32>
    %reduce_max3A_162 = vector.multi_reduction <maximumf>, %select_n3A_160, %reduce_max3A_161 [1] : vector<256x512xf32> to vector<256xf32>
    %broadcast_in_dim3A_163 = vector.shape_cast %reduce_max3A_162 : vector<256xf32> to vector<256x1xf32>
    %argmax3A_164 = tpu.reduce_index %select_n3A_160 {axis = 1 : i32, kind = #tpu.reduction_kind<arg_max>} : vector<256x512xf32> -> vector<256xi32>
    %broadcast_in_dim3A_165 = vector.shape_cast %argmax3A_164 : vector<256xi32> to vector<256x1xi32>
    %add3A_166 = arith.constant 0 : i32
    %add3A_167 = vector.broadcast %add3A_166 : i32 to vector<256x1xi32>
    %add3A_168 = arith.addi %broadcast_in_dim3A_165, %add3A_167 : vector<256x1xi32>
    %eq3A_169 = vector.broadcast %broadcast_in_dim3A_165 : vector<256x1xi32> to vector<256x512xi32>
    %eq3A_170 = arith.cmpi eq, %iota3A, %eq3A_169 : vector<256x512xi32>
    %jit3A_171 = arith.constant 0xFF800000 : f32
    %broadcast_in_dim3A_172 = vector.broadcast %jit3A_171 : f32 to vector<256x512xf32>
    %select_n3A_173 = arith.select %eq3A_170, %broadcast_in_dim3A_172, %select_n3A_160 : vector<256x512xi1>, vector<256x512xf32>
    %reduce_max3A_174 = arith.constant dense<0xFF800000> : vector<256xf32>
    %reduce_max3A_175 = vector.multi_reduction <maximumf>, %select_n3A_173, %reduce_max3A_174 [1] : vector<256x512xf32> to vector<256xf32>
    %broadcast_in_dim3A_176 = vector.shape_cast %reduce_max3A_175 : vector<256xf32> to vector<256x1xf32>
    %argmax3A_177 = tpu.reduce_index %select_n3A_173 {axis = 1 : i32, kind = #tpu.reduction_kind<arg_max>} : vector<256x512xf32> -> vector<256xi32>
    %broadcast_in_dim3A_178 = vector.shape_cast %argmax3A_177 : vector<256xi32> to vector<256x1xi32>
    %add3A_179 = arith.constant 0 : i32
    %add3A_180 = vector.broadcast %add3A_179 : i32 to vector<256x1xi32>
    %add3A_181 = arith.addi %broadcast_in_dim3A_178, %add3A_180 : vector<256x1xi32>
    %eq3A_182 = vector.broadcast %broadcast_in_dim3A_178 : vector<256x1xi32> to vector<256x512xi32>
    %eq3A_183 = arith.cmpi eq, %iota3A, %eq3A_182 : vector<256x512xi32>
    %jit3A_184 = arith.constant 0xFF800000 : f32
    %broadcast_in_dim3A_185 = vector.broadcast %jit3A_184 : f32 to vector<256x512xf32>
    %select_n3A_186 = arith.select %eq3A_183, %broadcast_in_dim3A_185, %select_n3A_173 : vector<256x512xi1>, vector<256x512xf32>
    %reduce_max3A_187 = arith.constant dense<0xFF800000> : vector<256xf32>
    %reduce_max3A_188 = vector.multi_reduction <maximumf>, %select_n3A_186, %reduce_max3A_187 [1] : vector<256x512xf32> to vector<256xf32>
    %broadcast_in_dim3A_189 = vector.shape_cast %reduce_max3A_188 : vector<256xf32> to vector<256x1xf32>
    %argmax3A_190 = tpu.reduce_index %select_n3A_186 {axis = 1 : i32, kind = #tpu.reduction_kind<arg_max>} : vector<256x512xf32> -> vector<256xi32>
    %broadcast_in_dim3A_191 = vector.shape_cast %argmax3A_190 : vector<256xi32> to vector<256x1xi32>
    %add3A_192 = arith.constant 0 : i32
    %add3A_193 = vector.broadcast %add3A_192 : i32 to vector<256x1xi32>
    %add3A_194 = arith.addi %broadcast_in_dim3A_191, %add3A_193 : vector<256x1xi32>
    %eq3A_195 = vector.broadcast %broadcast_in_dim3A_191 : vector<256x1xi32> to vector<256x512xi32>
    %eq3A_196 = arith.cmpi eq, %iota3A, %eq3A_195 : vector<256x512xi32>
    %jit3A_197 = arith.constant 0xFF800000 : f32
    %broadcast_in_dim3A_198 = vector.broadcast %jit3A_197 : f32 to vector<256x512xf32>
    %select_n3A_199 = arith.select %eq3A_196, %broadcast_in_dim3A_198, %select_n3A_186 : vector<256x512xi1>, vector<256x512xf32>
    %reduce_max3A_200 = arith.constant dense<0xFF800000> : vector<256xf32>
    %reduce_max3A_201 = vector.multi_reduction <maximumf>, %select_n3A_199, %reduce_max3A_200 [1] : vector<256x512xf32> to vector<256xf32>
    %broadcast_in_dim3A_202 = vector.shape_cast %reduce_max3A_201 : vector<256xf32> to vector<256x1xf32>
    %argmax3A_203 = tpu.reduce_index %select_n3A_199 {axis = 1 : i32, kind = #tpu.reduction_kind<arg_max>} : vector<256x512xf32> -> vector<256xi32>
    %broadcast_in_dim3A_204 = vector.shape_cast %argmax3A_203 : vector<256xi32> to vector<256x1xi32>
    %add3A_205 = arith.constant 0 : i32
    %add3A_206 = vector.broadcast %add3A_205 : i32 to vector<256x1xi32>
    %add3A_207 = arith.addi %broadcast_in_dim3A_204, %add3A_206 : vector<256x1xi32>
    %slice3A_208 = vector.extract_strided_slice %dot_general3A_11 {offsets = [0, 512], sizes = [256, 512], strides = [1, 1]} : vector<256x2048xf32> to vector<256x512xf32>
    %iota3A_209 = tpu.iota {dimensions = array<i32: 1>} : vector<256x512xi32>
    %reduce_max3A_210 = arith.constant dense<0xFF800000> : vector<256xf32>
    %reduce_max3A_211 = vector.multi_reduction <maximumf>, %slice3A_208, %reduce_max3A_210 [1] : vector<256x512xf32> to vector<256xf32>
    %broadcast_in_dim3A_212 = vector.shape_cast %reduce_max3A_211 : vector<256xf32> to vector<256x1xf32>
    %argmax3A_213 = tpu.reduce_index %slice3A_208 {axis = 1 : i32, kind = #tpu.reduction_kind<arg_max>} : vector<256x512xf32> -> vector<256xi32>
    %broadcast_in_dim3A_214 = vector.shape_cast %argmax3A_213 : vector<256xi32> to vector<256x1xi32>
    %add3A_215 = arith.constant 512 : i32
    %add3A_216 = vector.broadcast %add3A_215 : i32 to vector<256x1xi32>
    %add3A_217 = arith.addi %broadcast_in_dim3A_214, %add3A_216 : vector<256x1xi32>
    %eq3A_218 = vector.broadcast %broadcast_in_dim3A_214 : vector<256x1xi32> to vector<256x512xi32>
    %eq3A_219 = arith.cmpi eq, %iota3A_209, %eq3A_218 : vector<256x512xi32>
    %jit3A_220 = arith.constant 0xFF800000 : f32
    %broadcast_in_dim3A_221 = vector.broadcast %jit3A_220 : f32 to vector<256x512xf32>
    %select_n3A_222 = arith.select %eq3A_219, %broadcast_in_dim3A_221, %slice3A_208 : vector<256x512xi1>, vector<256x512xf32>
    %reduce_max3A_223 = arith.constant dense<0xFF800000> : vector<256xf32>
    %reduce_max3A_224 = vector.multi_reduction <maximumf>, %select_n3A_222, %reduce_max3A_223 [1] : vector<256x512xf32> to vector<256xf32>
    %broadcast_in_dim3A_225 = vector.shape_cast %reduce_max3A_224 : vector<256xf32> to vector<256x1xf32>
    %argmax3A_226 = tpu.reduce_index %select_n3A_222 {axis = 1 : i32, kind = #tpu.reduction_kind<arg_max>} : vector<256x512xf32> -> vector<256xi32>
    %broadcast_in_dim3A_227 = vector.shape_cast %argmax3A_226 : vector<256xi32> to vector<256x1xi32>
    %add3A_228 = arith.constant 512 : i32
    %add3A_229 = vector.broadcast %add3A_228 : i32 to vector<256x1xi32>
    %add3A_230 = arith.addi %broadcast_in_dim3A_227, %add3A_229 : vector<256x1xi32>
    %eq3A_231 = vector.broadcast %broadcast_in_dim3A_227 : vector<256x1xi32> to vector<256x512xi32>
    %eq3A_232 = arith.cmpi eq, %iota3A_209, %eq3A_231 : vector<256x512xi32>
    %jit3A_233 = arith.constant 0xFF800000 : f32
    %broadcast_in_dim3A_234 = vector.broadcast %jit3A_233 : f32 to vector<256x512xf32>
    %select_n3A_235 = arith.select %eq3A_232, %broadcast_in_dim3A_234, %select_n3A_222 : vector<256x512xi1>, vector<256x512xf32>
    %reduce_max3A_236 = arith.constant dense<0xFF800000> : vector<256xf32>
    %reduce_max3A_237 = vector.multi_reduction <maximumf>, %select_n3A_235, %reduce_max3A_236 [1] : vector<256x512xf32> to vector<256xf32>
    %broadcast_in_dim3A_238 = vector.shape_cast %reduce_max3A_237 : vector<256xf32> to vector<256x1xf32>
    %argmax3A_239 = tpu.reduce_index %select_n3A_235 {axis = 1 : i32, kind = #tpu.reduction_kind<arg_max>} : vector<256x512xf32> -> vector<256xi32>
    %broadcast_in_dim3A_240 = vector.shape_cast %argmax3A_239 : vector<256xi32> to vector<256x1xi32>
    %add3A_241 = arith.constant 512 : i32
    %add3A_242 = vector.broadcast %add3A_241 : i32 to vector<256x1xi32>
    %add3A_243 = arith.addi %broadcast_in_dim3A_240, %add3A_242 : vector<256x1xi32>
    %eq3A_244 = vector.broadcast %broadcast_in_dim3A_240 : vector<256x1xi32> to vector<256x512xi32>
    %eq3A_245 = arith.cmpi eq, %iota3A_209, %eq3A_244 : vector<256x512xi32>
    %jit3A_246 = arith.constant 0xFF800000 : f32
    %broadcast_in_dim3A_247 = vector.broadcast %jit3A_246 : f32 to vector<256x512xf32>
    %select_n3A_248 = arith.select %eq3A_245, %broadcast_in_dim3A_247, %select_n3A_235 : vector<256x512xi1>, vector<256x512xf32>
    %reduce_max3A_249 = arith.constant dense<0xFF800000> : vector<256xf32>
    %reduce_max3A_250 = vector.multi_reduction <maximumf>, %select_n3A_248, %reduce_max3A_249 [1] : vector<256x512xf32> to vector<256xf32>
    %broadcast_in_dim3A_251 = vector.shape_cast %reduce_max3A_250 : vector<256xf32> to vector<256x1xf32>
    %argmax3A_252 = tpu.reduce_index %select_n3A_248 {axis = 1 : i32, kind = #tpu.reduction_kind<arg_max>} : vector<256x512xf32> -> vector<256xi32>
    %broadcast_in_dim3A_253 = vector.shape_cast %argmax3A_252 : vector<256xi32> to vector<256x1xi32>
    %add3A_254 = arith.constant 512 : i32
    %add3A_255 = vector.broadcast %add3A_254 : i32 to vector<256x1xi32>
    %add3A_256 = arith.addi %broadcast_in_dim3A_253, %add3A_255 : vector<256x1xi32>
    %eq3A_257 = vector.broadcast %broadcast_in_dim3A_253 : vector<256x1xi32> to vector<256x512xi32>
    %eq3A_258 = arith.cmpi eq, %iota3A_209, %eq3A_257 : vector<256x512xi32>
    %jit3A_259 = arith.constant 0xFF800000 : f32
    %broadcast_in_dim3A_260 = vector.broadcast %jit3A_259 : f32 to vector<256x512xf32>
    %select_n3A_261 = arith.select %eq3A_258, %broadcast_in_dim3A_260, %select_n3A_248 : vector<256x512xi1>, vector<256x512xf32>
    %reduce_max3A_262 = arith.constant dense<0xFF800000> : vector<256xf32>
    %reduce_max3A_263 = vector.multi_reduction <maximumf>, %select_n3A_261, %reduce_max3A_262 [1] : vector<256x512xf32> to vector<256xf32>
    %broadcast_in_dim3A_264 = vector.shape_cast %reduce_max3A_263 : vector<256xf32> to vector<256x1xf32>
    %argmax3A_265 = tpu.reduce_index %select_n3A_261 {axis = 1 : i32, kind = #tpu.reduction_kind<arg_max>} : vector<256x512xf32> -> vector<256xi32>
    %broadcast_in_dim3A_266 = vector.shape_cast %argmax3A_265 : vector<256xi32> to vector<256x1xi32>
    %add3A_267 = arith.constant 512 : i32
    %add3A_268 = vector.broadcast %add3A_267 : i32 to vector<256x1xi32>
    %add3A_269 = arith.addi %broadcast_in_dim3A_266, %add3A_268 : vector<256x1xi32>
    %eq3A_270 = vector.broadcast %broadcast_in_dim3A_266 : vector<256x1xi32> to vector<256x512xi32>
    %eq3A_271 = arith.cmpi eq, %iota3A_209, %eq3A_270 : vector<256x512xi32>
    %jit3A_272 = arith.constant 0xFF800000 : f32
    %broadcast_in_dim3A_273 = vector.broadcast %jit3A_272 : f32 to vector<256x512xf32>
    %select_n3A_274 = arith.select %eq3A_271, %broadcast_in_dim3A_273, %select_n3A_261 : vector<256x512xi1>, vector<256x512xf32>
    %reduce_max3A_275 = arith.constant dense<0xFF800000> : vector<256xf32>
    %reduce_max3A_276 = vector.multi_reduction <maximumf>, %select_n3A_274, %reduce_max3A_275 [1] : vector<256x512xf32> to vector<256xf32>
    %broadcast_in_dim3A_277 = vector.shape_cast %reduce_max3A_276 : vector<256xf32> to vector<256x1xf32>
    %argmax3A_278 = tpu.reduce_index %select_n3A_274 {axis = 1 : i32, kind = #tpu.reduction_kind<arg_max>} : vector<256x512xf32> -> vector<256xi32>
    %broadcast_in_dim3A_279 = vector.shape_cast %argmax3A_278 : vector<256xi32> to vector<256x1xi32>
    %add3A_280 = arith.constant 512 : i32
    %add3A_281 = vector.broadcast %add3A_280 : i32 to vector<256x1xi32>
    %add3A_282 = arith.addi %broadcast_in_dim3A_279, %add3A_281 : vector<256x1xi32>
    %eq3A_283 = vector.broadcast %broadcast_in_dim3A_279 : vector<256x1xi32> to vector<256x512xi32>
    %eq3A_284 = arith.cmpi eq, %iota3A_209, %eq3A_283 : vector<256x512xi32>
    %jit3A_285 = arith.constant 0xFF800000 : f32
    %broadcast_in_dim3A_286 = vector.broadcast %jit3A_285 : f32 to vector<256x512xf32>
    %select_n3A_287 = arith.select %eq3A_284, %broadcast_in_dim3A_286, %select_n3A_274 : vector<256x512xi1>, vector<256x512xf32>
    %reduce_max3A_288 = arith.constant dense<0xFF800000> : vector<256xf32>
    %reduce_max3A_289 = vector.multi_reduction <maximumf>, %select_n3A_287, %reduce_max3A_288 [1] : vector<256x512xf32> to vector<256xf32>
    %broadcast_in_dim3A_290 = vector.shape_cast %reduce_max3A_289 : vector<256xf32> to vector<256x1xf32>
    %argmax3A_291 = tpu.reduce_index %select_n3A_287 {axis = 1 : i32, kind = #tpu.reduction_kind<arg_max>} : vector<256x512xf32> -> vector<256xi32>
    %broadcast_in_dim3A_292 = vector.shape_cast %argmax3A_291 : vector<256xi32> to vector<256x1xi32>
    %add3A_293 = arith.constant 512 : i32
    %add3A_294 = vector.broadcast %add3A_293 : i32 to vector<256x1xi32>
    %add3A_295 = arith.addi %broadcast_in_dim3A_292, %add3A_294 : vector<256x1xi32>
    %eq3A_296 = vector.broadcast %broadcast_in_dim3A_292 : vector<256x1xi32> to vector<256x512xi32>
    %eq3A_297 = arith.cmpi eq, %iota3A_209, %eq3A_296 : vector<256x512xi32>
    %jit3A_298 = arith.constant 0xFF800000 : f32
    %broadcast_in_dim3A_299 = vector.broadcast %jit3A_298 : f32 to vector<256x512xf32>
    %select_n3A_300 = arith.select %eq3A_297, %broadcast_in_dim3A_299, %select_n3A_287 : vector<256x512xi1>, vector<256x512xf32>
    %reduce_max3A_301 = arith.constant dense<0xFF800000> : vector<256xf32>
    %reduce_max3A_302 = vector.multi_reduction <maximumf>, %select_n3A_300, %reduce_max3A_301 [1] : vector<256x512xf32> to vector<256xf32>
    %broadcast_in_dim3A_303 = vector.shape_cast %reduce_max3A_302 : vector<256xf32> to vector<256x1xf32>
    %argmax3A_304 = tpu.reduce_index %select_n3A_300 {axis = 1 : i32, kind = #tpu.reduction_kind<arg_max>} : vector<256x512xf32> -> vector<256xi32>
    %broadcast_in_dim3A_305 = vector.shape_cast %argmax3A_304 : vector<256xi32> to vector<256x1xi32>
    %add3A_306 = arith.constant 512 : i32
    %add3A_307 = vector.broadcast %add3A_306 : i32 to vector<256x1xi32>
    %add3A_308 = arith.addi %broadcast_in_dim3A_305, %add3A_307 : vector<256x1xi32>
    %eq3A_309 = vector.broadcast %broadcast_in_dim3A_305 : vector<256x1xi32> to vector<256x512xi32>
    %eq3A_310 = arith.cmpi eq, %iota3A_209, %eq3A_309 : vector<256x512xi32>
    %jit3A_311 = arith.constant 0xFF800000 : f32
    %broadcast_in_dim3A_312 = vector.broadcast %jit3A_311 : f32 to vector<256x512xf32>
    %select_n3A_313 = arith.select %eq3A_310, %broadcast_in_dim3A_312, %select_n3A_300 : vector<256x512xi1>, vector<256x512xf32>
    %reduce_max3A_314 = arith.constant dense<0xFF800000> : vector<256xf32>
    %reduce_max3A_315 = vector.multi_reduction <maximumf>, %select_n3A_313, %reduce_max3A_314 [1] : vector<256x512xf32> to vector<256xf32>
    %broadcast_in_dim3A_316 = vector.shape_cast %reduce_max3A_315 : vector<256xf32> to vector<256x1xf32>
    %argmax3A_317 = tpu.reduce_index %select_n3A_313 {axis = 1 : i32, kind = #tpu.reduction_kind<arg_max>} : vector<256x512xf32> -> vector<256xi32>
    %broadcast_in_dim3A_318 = vector.shape_cast %argmax3A_317 : vector<256xi32> to vector<256x1xi32>
    %add3A_319 = arith.constant 512 : i32
    %add3A_320 = vector.broadcast %add3A_319 : i32 to vector<256x1xi32>
    %add3A_321 = arith.addi %broadcast_in_dim3A_318, %add3A_320 : vector<256x1xi32>
    %eq3A_322 = vector.broadcast %broadcast_in_dim3A_318 : vector<256x1xi32> to vector<256x512xi32>
    %eq3A_323 = arith.cmpi eq, %iota3A_209, %eq3A_322 : vector<256x512xi32>
    %jit3A_324 = arith.constant 0xFF800000 : f32
    %broadcast_in_dim3A_325 = vector.broadcast %jit3A_324 : f32 to vector<256x512xf32>
    %select_n3A_326 = arith.select %eq3A_323, %broadcast_in_dim3A_325, %select_n3A_313 : vector<256x512xi1>, vector<256x512xf32>
    %reduce_max3A_327 = arith.constant dense<0xFF800000> : vector<256xf32>
    %reduce_max3A_328 = vector.multi_reduction <maximumf>, %select_n3A_326, %reduce_max3A_327 [1] : vector<256x512xf32> to vector<256xf32>
    %broadcast_in_dim3A_329 = vector.shape_cast %reduce_max3A_328 : vector<256xf32> to vector<256x1xf32>
    %argmax3A_330 = tpu.reduce_index %select_n3A_326 {axis = 1 : i32, kind = #tpu.reduction_kind<arg_max>} : vector<256x512xf32> -> vector<256xi32>
    %broadcast_in_dim3A_331 = vector.shape_cast %argmax3A_330 : vector<256xi32> to vector<256x1xi32>
    %add3A_332 = arith.constant 512 : i32
    %add3A_333 = vector.broadcast %add3A_332 : i32 to vector<256x1xi32>
    %add3A_334 = arith.addi %broadcast_in_dim3A_331, %add3A_333 : vector<256x1xi32>
    %eq3A_335 = vector.broadcast %broadcast_in_dim3A_331 : vector<256x1xi32> to vector<256x512xi32>
    %eq3A_336 = arith.cmpi eq, %iota3A_209, %eq3A_335 : vector<256x512xi32>
    %jit3A_337 = arith.constant 0xFF800000 : f32
    %broadcast_in_dim3A_338 = vector.broadcast %jit3A_337 : f32 to vector<256x512xf32>
    %select_n3A_339 = arith.select %eq3A_336, %broadcast_in_dim3A_338, %select_n3A_326 : vector<256x512xi1>, vector<256x512xf32>
    %reduce_max3A_340 = arith.constant dense<0xFF800000> : vector<256xf32>
    %reduce_max3A_341 = vector.multi_reduction <maximumf>, %select_n3A_339, %reduce_max3A_340 [1] : vector<256x512xf32> to vector<256xf32>
    %broadcast_in_dim3A_342 = vector.shape_cast %reduce_max3A_341 : vector<256xf32> to vector<256x1xf32>
    %argmax3A_343 = tpu.reduce_index %select_n3A_339 {axis = 1 : i32, kind = #tpu.reduction_kind<arg_max>} : vector<256x512xf32> -> vector<256xi32>
    %broadcast_in_dim3A_344 = vector.shape_cast %argmax3A_343 : vector<256xi32> to vector<256x1xi32>
    %add3A_345 = arith.constant 512 : i32
    %add3A_346 = vector.broadcast %add3A_345 : i32 to vector<256x1xi32>
    %add3A_347 = arith.addi %broadcast_in_dim3A_344, %add3A_346 : vector<256x1xi32>
    %eq3A_348 = vector.broadcast %broadcast_in_dim3A_344 : vector<256x1xi32> to vector<256x512xi32>
    %eq3A_349 = arith.cmpi eq, %iota3A_209, %eq3A_348 : vector<256x512xi32>
    %jit3A_350 = arith.constant 0xFF800000 : f32
    %broadcast_in_dim3A_351 = vector.broadcast %jit3A_350 : f32 to vector<256x512xf32>
    %select_n3A_352 = arith.select %eq3A_349, %broadcast_in_dim3A_351, %select_n3A_339 : vector<256x512xi1>, vector<256x512xf32>
    %reduce_max3A_353 = arith.constant dense<0xFF800000> : vector<256xf32>
    %reduce_max3A_354 = vector.multi_reduction <maximumf>, %select_n3A_352, %reduce_max3A_353 [1] : vector<256x512xf32> to vector<256xf32>
    %broadcast_in_dim3A_355 = vector.shape_cast %reduce_max3A_354 : vector<256xf32> to vector<256x1xf32>
    %argmax3A_356 = tpu.reduce_index %select_n3A_352 {axis = 1 : i32, kind = #tpu.reduction_kind<arg_max>} : vector<256x512xf32> -> vector<256xi32>
    %broadcast_in_dim3A_357 = vector.shape_cast %argmax3A_356 : vector<256xi32> to vector<256x1xi32>
    %add3A_358 = arith.constant 512 : i32
    %add3A_359 = vector.broadcast %add3A_358 : i32 to vector<256x1xi32>
    %add3A_360 = arith.addi %broadcast_in_dim3A_357, %add3A_359 : vector<256x1xi32>
    %eq3A_361 = vector.broadcast %broadcast_in_dim3A_357 : vector<256x1xi32> to vector<256x512xi32>
    %eq3A_362 = arith.cmpi eq, %iota3A_209, %eq3A_361 : vector<256x512xi32>
    %jit3A_363 = arith.constant 0xFF800000 : f32
    %broadcast_in_dim3A_364 = vector.broadcast %jit3A_363 : f32 to vector<256x512xf32>
    %select_n3A_365 = arith.select %eq3A_362, %broadcast_in_dim3A_364, %select_n3A_352 : vector<256x512xi1>, vector<256x512xf32>
    %reduce_max3A_366 = arith.constant dense<0xFF800000> : vector<256xf32>
    %reduce_max3A_367 = vector.multi_reduction <maximumf>, %select_n3A_365, %reduce_max3A_366 [1] : vector<256x512xf32> to vector<256xf32>
    %broadcast_in_dim3A_368 = vector.shape_cast %reduce_max3A_367 : vector<256xf32> to vector<256x1xf32>
    %argmax3A_369 = tpu.reduce_index %select_n3A_365 {axis = 1 : i32, kind = #tpu.reduction_kind<arg_max>} : vector<256x512xf32> -> vector<256xi32>
    %broadcast_in_dim3A_370 = vector.shape_cast %argmax3A_369 : vector<256xi32> to vector<256x1xi32>
    %add3A_371 = arith.constant 512 : i32
    %add3A_372 = vector.broadcast %add3A_371 : i32 to vector<256x1xi32>
    %add3A_373 = arith.addi %broadcast_in_dim3A_370, %add3A_372 : vector<256x1xi32>
    %eq3A_374 = vector.broadcast %broadcast_in_dim3A_370 : vector<256x1xi32> to vector<256x512xi32>
    %eq3A_375 = arith.cmpi eq, %iota3A_209, %eq3A_374 : vector<256x512xi32>
    %jit3A_376 = arith.constant 0xFF800000 : f32
    %broadcast_in_dim3A_377 = vector.broadcast %jit3A_376 : f32 to vector<256x512xf32>
    %select_n3A_378 = arith.select %eq3A_375, %broadcast_in_dim3A_377, %select_n3A_365 : vector<256x512xi1>, vector<256x512xf32>
    %reduce_max3A_379 = arith.constant dense<0xFF800000> : vector<256xf32>
    %reduce_max3A_380 = vector.multi_reduction <maximumf>, %select_n3A_378, %reduce_max3A_379 [1] : vector<256x512xf32> to vector<256xf32>
    %broadcast_in_dim3A_381 = vector.shape_cast %reduce_max3A_380 : vector<256xf32> to vector<256x1xf32>
    %argmax3A_382 = tpu.reduce_index %select_n3A_378 {axis = 1 : i32, kind = #tpu.reduction_kind<arg_max>} : vector<256x512xf32> -> vector<256xi32>
    %broadcast_in_dim3A_383 = vector.shape_cast %argmax3A_382 : vector<256xi32> to vector<256x1xi32>
    %add3A_384 = arith.constant 512 : i32
    %add3A_385 = vector.broadcast %add3A_384 : i32 to vector<256x1xi32>
    %add3A_386 = arith.addi %broadcast_in_dim3A_383, %add3A_385 : vector<256x1xi32>
    %eq3A_387 = vector.broadcast %broadcast_in_dim3A_383 : vector<256x1xi32> to vector<256x512xi32>
    %eq3A_388 = arith.cmpi eq, %iota3A_209, %eq3A_387 : vector<256x512xi32>
    %jit3A_389 = arith.constant 0xFF800000 : f32
    %broadcast_in_dim3A_390 = vector.broadcast %jit3A_389 : f32 to vector<256x512xf32>
    %select_n3A_391 = arith.select %eq3A_388, %broadcast_in_dim3A_390, %select_n3A_378 : vector<256x512xi1>, vector<256x512xf32>
    %reduce_max3A_392 = arith.constant dense<0xFF800000> : vector<256xf32>
    %reduce_max3A_393 = vector.multi_reduction <maximumf>, %select_n3A_391, %reduce_max3A_392 [1] : vector<256x512xf32> to vector<256xf32>
    %broadcast_in_dim3A_394 = vector.shape_cast %reduce_max3A_393 : vector<256xf32> to vector<256x1xf32>
    %argmax3A_395 = tpu.reduce_index %select_n3A_391 {axis = 1 : i32, kind = #tpu.reduction_kind<arg_max>} : vector<256x512xf32> -> vector<256xi32>
    %broadcast_in_dim3A_396 = vector.shape_cast %argmax3A_395 : vector<256xi32> to vector<256x1xi32>
    %add3A_397 = arith.constant 512 : i32
    %add3A_398 = vector.broadcast %add3A_397 : i32 to vector<256x1xi32>
    %add3A_399 = arith.addi %broadcast_in_dim3A_396, %add3A_398 : vector<256x1xi32>
    %eq3A_400 = vector.broadcast %broadcast_in_dim3A_396 : vector<256x1xi32> to vector<256x512xi32>
    %eq3A_401 = arith.cmpi eq, %iota3A_209, %eq3A_400 : vector<256x512xi32>
    %jit3A_402 = arith.constant 0xFF800000 : f32
    %broadcast_in_dim3A_403 = vector.broadcast %jit3A_402 : f32 to vector<256x512xf32>
    %select_n3A_404 = arith.select %eq3A_401, %broadcast_in_dim3A_403, %select_n3A_391 : vector<256x512xi1>, vector<256x512xf32>
    %reduce_max3A_405 = arith.constant dense<0xFF800000> : vector<256xf32>
    %reduce_max3A_406 = vector.multi_reduction <maximumf>, %select_n3A_404, %reduce_max3A_405 [1] : vector<256x512xf32> to vector<256xf32>
    %broadcast_in_dim3A_407 = vector.shape_cast %reduce_max3A_406 : vector<256xf32> to vector<256x1xf32>
    %argmax3A_408 = tpu.reduce_index %select_n3A_404 {axis = 1 : i32, kind = #tpu.reduction_kind<arg_max>} : vector<256x512xf32> -> vector<256xi32>
    %broadcast_in_dim3A_409 = vector.shape_cast %argmax3A_408 : vector<256xi32> to vector<256x1xi32>
    %add3A_410 = arith.constant 512 : i32
    %add3A_411 = vector.broadcast %add3A_410 : i32 to vector<256x1xi32>
    %add3A_412 = arith.addi %broadcast_in_dim3A_409, %add3A_411 : vector<256x1xi32>
    %slice3A_413 = vector.extract_strided_slice %dot_general3A_11 {offsets = [0, 1024], sizes = [256, 512], strides = [1, 1]} : vector<256x2048xf32> to vector<256x512xf32>
    %iota3A_414 = tpu.iota {dimensions = array<i32: 1>} : vector<256x512xi32>
    %reduce_max3A_415 = arith.constant dense<0xFF800000> : vector<256xf32>
    %reduce_max3A_416 = vector.multi_reduction <maximumf>, %slice3A_413, %reduce_max3A_415 [1] : vector<256x512xf32> to vector<256xf32>
    %broadcast_in_dim3A_417 = vector.shape_cast %reduce_max3A_416 : vector<256xf32> to vector<256x1xf32>
    %argmax3A_418 = tpu.reduce_index %slice3A_413 {axis = 1 : i32, kind = #tpu.reduction_kind<arg_max>} : vector<256x512xf32> -> vector<256xi32>
    %broadcast_in_dim3A_419 = vector.shape_cast %argmax3A_418 : vector<256xi32> to vector<256x1xi32>
    %add3A_420 = arith.constant 1024 : i32
    %add3A_421 = vector.broadcast %add3A_420 : i32 to vector<256x1xi32>
    %add3A_422 = arith.addi %broadcast_in_dim3A_419, %add3A_421 : vector<256x1xi32>
    %eq3A_423 = vector.broadcast %broadcast_in_dim3A_419 : vector<256x1xi32> to vector<256x512xi32>
    %eq3A_424 = arith.cmpi eq, %iota3A_414, %eq3A_423 : vector<256x512xi32>
    %jit3A_425 = arith.constant 0xFF800000 : f32
    %broadcast_in_dim3A_426 = vector.broadcast %jit3A_425 : f32 to vector<256x512xf32>
    %select_n3A_427 = arith.select %eq3A_424, %broadcast_in_dim3A_426, %slice3A_413 : vector<256x512xi1>, vector<256x512xf32>
    %reduce_max3A_428 = arith.constant dense<0xFF800000> : vector<256xf32>
    %reduce_max3A_429 = vector.multi_reduction <maximumf>, %select_n3A_427, %reduce_max3A_428 [1] : vector<256x512xf32> to vector<256xf32>
    %broadcast_in_dim3A_430 = vector.shape_cast %reduce_max3A_429 : vector<256xf32> to vector<256x1xf32>
    %argmax3A_431 = tpu.reduce_index %select_n3A_427 {axis = 1 : i32, kind = #tpu.reduction_kind<arg_max>} : vector<256x512xf32> -> vector<256xi32>
    %broadcast_in_dim3A_432 = vector.shape_cast %argmax3A_431 : vector<256xi32> to vector<256x1xi32>
    %add3A_433 = arith.constant 1024 : i32
    %add3A_434 = vector.broadcast %add3A_433 : i32 to vector<256x1xi32>
    %add3A_435 = arith.addi %broadcast_in_dim3A_432, %add3A_434 : vector<256x1xi32>
    %eq3A_436 = vector.broadcast %broadcast_in_dim3A_432 : vector<256x1xi32> to vector<256x512xi32>
    %eq3A_437 = arith.cmpi eq, %iota3A_414, %eq3A_436 : vector<256x512xi32>
    %jit3A_438 = arith.constant 0xFF800000 : f32
    %broadcast_in_dim3A_439 = vector.broadcast %jit3A_438 : f32 to vector<256x512xf32>
    %select_n3A_440 = arith.select %eq3A_437, %broadcast_in_dim3A_439, %select_n3A_427 : vector<256x512xi1>, vector<256x512xf32>
    %reduce_max3A_441 = arith.constant dense<0xFF800000> : vector<256xf32>
    %reduce_max3A_442 = vector.multi_reduction <maximumf>, %select_n3A_440, %reduce_max3A_441 [1] : vector<256x512xf32> to vector<256xf32>
    %broadcast_in_dim3A_443 = vector.shape_cast %reduce_max3A_442 : vector<256xf32> to vector<256x1xf32>
    %argmax3A_444 = tpu.reduce_index %select_n3A_440 {axis = 1 : i32, kind = #tpu.reduction_kind<arg_max>} : vector<256x512xf32> -> vector<256xi32>
    %broadcast_in_dim3A_445 = vector.shape_cast %argmax3A_444 : vector<256xi32> to vector<256x1xi32>
    %add3A_446 = arith.constant 1024 : i32
    %add3A_447 = vector.broadcast %add3A_446 : i32 to vector<256x1xi32>
    %add3A_448 = arith.addi %broadcast_in_dim3A_445, %add3A_447 : vector<256x1xi32>
    %eq3A_449 = vector.broadcast %broadcast_in_dim3A_445 : vector<256x1xi32> to vector<256x512xi32>
    %eq3A_450 = arith.cmpi eq, %iota3A_414, %eq3A_449 : vector<256x512xi32>
    %jit3A_451 = arith.constant 0xFF800000 : f32
    %broadcast_in_dim3A_452 = vector.broadcast %jit3A_451 : f32 to vector<256x512xf32>
    %select_n3A_453 = arith.select %eq3A_450, %broadcast_in_dim3A_452, %select_n3A_440 : vector<256x512xi1>, vector<256x512xf32>
    %reduce_max3A_454 = arith.constant dense<0xFF800000> : vector<256xf32>
    %reduce_max3A_455 = vector.multi_reduction <maximumf>, %select_n3A_453, %reduce_max3A_454 [1] : vector<256x512xf32> to vector<256xf32>
    %broadcast_in_dim3A_456 = vector.shape_cast %reduce_max3A_455 : vector<256xf32> to vector<256x1xf32>
    %argmax3A_457 = tpu.reduce_index %select_n3A_453 {axis = 1 : i32, kind = #tpu.reduction_kind<arg_max>} : vector<256x512xf32> -> vector<256xi32>
    %broadcast_in_dim3A_458 = vector.shape_cast %argmax3A_457 : vector<256xi32> to vector<256x1xi32>
    %add3A_459 = arith.constant 1024 : i32
    %add3A_460 = vector.broadcast %add3A_459 : i32 to vector<256x1xi32>
    %add3A_461 = arith.addi %broadcast_in_dim3A_458, %add3A_460 : vector<256x1xi32>
    %eq3A_462 = vector.broadcast %broadcast_in_dim3A_458 : vector<256x1xi32> to vector<256x512xi32>
    %eq3A_463 = arith.cmpi eq, %iota3A_414, %eq3A_462 : vector<256x512xi32>
    %jit3A_464 = arith.constant 0xFF800000 : f32
    %broadcast_in_dim3A_465 = vector.broadcast %jit3A_464 : f32 to vector<256x512xf32>
    %select_n3A_466 = arith.select %eq3A_463, %broadcast_in_dim3A_465, %select_n3A_453 : vector<256x512xi1>, vector<256x512xf32>
    %reduce_max3A_467 = arith.constant dense<0xFF800000> : vector<256xf32>
    %reduce_max3A_468 = vector.multi_reduction <maximumf>, %select_n3A_466, %reduce_max3A_467 [1] : vector<256x512xf32> to vector<256xf32>
    %broadcast_in_dim3A_469 = vector.shape_cast %reduce_max3A_468 : vector<256xf32> to vector<256x1xf32>
    %argmax3A_470 = tpu.reduce_index %select_n3A_466 {axis = 1 : i32, kind = #tpu.reduction_kind<arg_max>} : vector<256x512xf32> -> vector<256xi32>
    %broadcast_in_dim3A_471 = vector.shape_cast %argmax3A_470 : vector<256xi32> to vector<256x1xi32>
    %add3A_472 = arith.constant 1024 : i32
    %add3A_473 = vector.broadcast %add3A_472 : i32 to vector<256x1xi32>
    %add3A_474 = arith.addi %broadcast_in_dim3A_471, %add3A_473 : vector<256x1xi32>
    %eq3A_475 = vector.broadcast %broadcast_in_dim3A_471 : vector<256x1xi32> to vector<256x512xi32>
    %eq3A_476 = arith.cmpi eq, %iota3A_414, %eq3A_475 : vector<256x512xi32>
    %jit3A_477 = arith.constant 0xFF800000 : f32
    %broadcast_in_dim3A_478 = vector.broadcast %jit3A_477 : f32 to vector<256x512xf32>
    %select_n3A_479 = arith.select %eq3A_476, %broadcast_in_dim3A_478, %select_n3A_466 : vector<256x512xi1>, vector<256x512xf32>
    %reduce_max3A_480 = arith.constant dense<0xFF800000> : vector<256xf32>
    %reduce_max3A_481 = vector.multi_reduction <maximumf>, %select_n3A_479, %reduce_max3A_480 [1] : vector<256x512xf32> to vector<256xf32>
    %broadcast_in_dim3A_482 = vector.shape_cast %reduce_max3A_481 : vector<256xf32> to vector<256x1xf32>
    %argmax3A_483 = tpu.reduce_index %select_n3A_479 {axis = 1 : i32, kind = #tpu.reduction_kind<arg_max>} : vector<256x512xf32> -> vector<256xi32>
    %broadcast_in_dim3A_484 = vector.shape_cast %argmax3A_483 : vector<256xi32> to vector<256x1xi32>
    %add3A_485 = arith.constant 1024 : i32
    %add3A_486 = vector.broadcast %add3A_485 : i32 to vector<256x1xi32>
    %add3A_487 = arith.addi %broadcast_in_dim3A_484, %add3A_486 : vector<256x1xi32>
    %eq3A_488 = vector.broadcast %broadcast_in_dim3A_484 : vector<256x1xi32> to vector<256x512xi32>
    %eq3A_489 = arith.cmpi eq, %iota3A_414, %eq3A_488 : vector<256x512xi32>
    %jit3A_490 = arith.constant 0xFF800000 : f32
    %broadcast_in_dim3A_491 = vector.broadcast %jit3A_490 : f32 to vector<256x512xf32>
    %select_n3A_492 = arith.select %eq3A_489, %broadcast_in_dim3A_491, %select_n3A_479 : vector<256x512xi1>, vector<256x512xf32>
    %reduce_max3A_493 = arith.constant dense<0xFF800000> : vector<256xf32>
    %reduce_max3A_494 = vector.multi_reduction <maximumf>, %select_n3A_492, %reduce_max3A_493 [1] : vector<256x512xf32> to vector<256xf32>
    %broadcast_in_dim3A_495 = vector.shape_cast %reduce_max3A_494 : vector<256xf32> to vector<256x1xf32>
    %argmax3A_496 = tpu.reduce_index %select_n3A_492 {axis = 1 : i32, kind = #tpu.reduction_kind<arg_max>} : vector<256x512xf32> -> vector<256xi32>
    %broadcast_in_dim3A_497 = vector.shape_cast %argmax3A_496 : vector<256xi32> to vector<256x1xi32>
    %add3A_498 = arith.constant 1024 : i32
    %add3A_499 = vector.broadcast %add3A_498 : i32 to vector<256x1xi32>
    %add3A_500 = arith.addi %broadcast_in_dim3A_497, %add3A_499 : vector<256x1xi32>
    %eq3A_501 = vector.broadcast %broadcast_in_dim3A_497 : vector<256x1xi32> to vector<256x512xi32>
    %eq3A_502 = arith.cmpi eq, %iota3A_414, %eq3A_501 : vector<256x512xi32>
    %jit3A_503 = arith.constant 0xFF800000 : f32
    %broadcast_in_dim3A_504 = vector.broadcast %jit3A_503 : f32 to vector<256x512xf32>
    %select_n3A_505 = arith.select %eq3A_502, %broadcast_in_dim3A_504, %select_n3A_492 : vector<256x512xi1>, vector<256x512xf32>
    %reduce_max3A_506 = arith.constant dense<0xFF800000> : vector<256xf32>
    %reduce_max3A_507 = vector.multi_reduction <maximumf>, %select_n3A_505, %reduce_max3A_506 [1] : vector<256x512xf32> to vector<256xf32>
    %broadcast_in_dim3A_508 = vector.shape_cast %reduce_max3A_507 : vector<256xf32> to vector<256x1xf32>
    %argmax3A_509 = tpu.reduce_index %select_n3A_505 {axis = 1 : i32, kind = #tpu.reduction_kind<arg_max>} : vector<256x512xf32> -> vector<256xi32>
    %broadcast_in_dim3A_510 = vector.shape_cast %argmax3A_509 : vector<256xi32> to vector<256x1xi32>
    %add3A_511 = arith.constant 1024 : i32
    %add3A_512 = vector.broadcast %add3A_511 : i32 to vector<256x1xi32>
    %add3A_513 = arith.addi %broadcast_in_dim3A_510, %add3A_512 : vector<256x1xi32>
    %eq3A_514 = vector.broadcast %broadcast_in_dim3A_510 : vector<256x1xi32> to vector<256x512xi32>
    %eq3A_515 = arith.cmpi eq, %iota3A_414, %eq3A_514 : vector<256x512xi32>
    %jit3A_516 = arith.constant 0xFF800000 : f32
    %broadcast_in_dim3A_517 = vector.broadcast %jit3A_516 : f32 to vector<256x512xf32>
    %select_n3A_518 = arith.select %eq3A_515, %broadcast_in_dim3A_517, %select_n3A_505 : vector<256x512xi1>, vector<256x512xf32>
    %reduce_max3A_519 = arith.constant dense<0xFF800000> : vector<256xf32>
    %reduce_max3A_520 = vector.multi_reduction <maximumf>, %select_n3A_518, %reduce_max3A_519 [1] : vector<256x512xf32> to vector<256xf32>
    %broadcast_in_dim3A_521 = vector.shape_cast %reduce_max3A_520 : vector<256xf32> to vector<256x1xf32>
    %argmax3A_522 = tpu.reduce_index %select_n3A_518 {axis = 1 : i32, kind = #tpu.reduction_kind<arg_max>} : vector<256x512xf32> -> vector<256xi32>
    %broadcast_in_dim3A_523 = vector.shape_cast %argmax3A_522 : vector<256xi32> to vector<256x1xi32>
    %add3A_524 = arith.constant 1024 : i32
    %add3A_525 = vector.broadcast %add3A_524 : i32 to vector<256x1xi32>
    %add3A_526 = arith.addi %broadcast_in_dim3A_523, %add3A_525 : vector<256x1xi32>
    %eq3A_527 = vector.broadcast %broadcast_in_dim3A_523 : vector<256x1xi32> to vector<256x512xi32>
    %eq3A_528 = arith.cmpi eq, %iota3A_414, %eq3A_527 : vector<256x512xi32>
    %jit3A_529 = arith.constant 0xFF800000 : f32
    %broadcast_in_dim3A_530 = vector.broadcast %jit3A_529 : f32 to vector<256x512xf32>
    %select_n3A_531 = arith.select %eq3A_528, %broadcast_in_dim3A_530, %select_n3A_518 : vector<256x512xi1>, vector<256x512xf32>
    %reduce_max3A_532 = arith.constant dense<0xFF800000> : vector<256xf32>
    %reduce_max3A_533 = vector.multi_reduction <maximumf>, %select_n3A_531, %reduce_max3A_532 [1] : vector<256x512xf32> to vector<256xf32>
    %broadcast_in_dim3A_534 = vector.shape_cast %reduce_max3A_533 : vector<256xf32> to vector<256x1xf32>
    %argmax3A_535 = tpu.reduce_index %select_n3A_531 {axis = 1 : i32, kind = #tpu.reduction_kind<arg_max>} : vector<256x512xf32> -> vector<256xi32>
    %broadcast_in_dim3A_536 = vector.shape_cast %argmax3A_535 : vector<256xi32> to vector<256x1xi32>
    %add3A_537 = arith.constant 1024 : i32
    %add3A_538 = vector.broadcast %add3A_537 : i32 to vector<256x1xi32>
    %add3A_539 = arith.addi %broadcast_in_dim3A_536, %add3A_538 : vector<256x1xi32>
    %eq3A_540 = vector.broadcast %broadcast_in_dim3A_536 : vector<256x1xi32> to vector<256x512xi32>
    %eq3A_541 = arith.cmpi eq, %iota3A_414, %eq3A_540 : vector<256x512xi32>
    %jit3A_542 = arith.constant 0xFF800000 : f32
    %broadcast_in_dim3A_543 = vector.broadcast %jit3A_542 : f32 to vector<256x512xf32>
    %select_n3A_544 = arith.select %eq3A_541, %broadcast_in_dim3A_543, %select_n3A_531 : vector<256x512xi1>, vector<256x512xf32>
    %reduce_max3A_545 = arith.constant dense<0xFF800000> : vector<256xf32>
    %reduce_max3A_546 = vector.multi_reduction <maximumf>, %select_n3A_544, %reduce_max3A_545 [1] : vector<256x512xf32> to vector<256xf32>
    %broadcast_in_dim3A_547 = vector.shape_cast %reduce_max3A_546 : vector<256xf32> to vector<256x1xf32>
    %argmax3A_548 = tpu.reduce_index %select_n3A_544 {axis = 1 : i32, kind = #tpu.reduction_kind<arg_max>} : vector<256x512xf32> -> vector<256xi32>
    %broadcast_in_dim3A_549 = vector.shape_cast %argmax3A_548 : vector<256xi32> to vector<256x1xi32>
    %add3A_550 = arith.constant 1024 : i32
    %add3A_551 = vector.broadcast %add3A_550 : i32 to vector<256x1xi32>
    %add3A_552 = arith.addi %broadcast_in_dim3A_549, %add3A_551 : vector<256x1xi32>
    %eq3A_553 = vector.broadcast %broadcast_in_dim3A_549 : vector<256x1xi32> to vector<256x512xi32>
    %eq3A_554 = arith.cmpi eq, %iota3A_414, %eq3A_553 : vector<256x512xi32>
    %jit3A_555 = arith.constant 0xFF800000 : f32
    %broadcast_in_dim3A_556 = vector.broadcast %jit3A_555 : f32 to vector<256x512xf32>
    %select_n3A_557 = arith.select %eq3A_554, %broadcast_in_dim3A_556, %select_n3A_544 : vector<256x512xi1>, vector<256x512xf32>
    %reduce_max3A_558 = arith.constant dense<0xFF800000> : vector<256xf32>
    %reduce_max3A_559 = vector.multi_reduction <maximumf>, %select_n3A_557, %reduce_max3A_558 [1] : vector<256x512xf32> to vector<256xf32>
    %broadcast_in_dim3A_560 = vector.shape_cast %reduce_max3A_559 : vector<256xf32> to vector<256x1xf32>
    %argmax3A_561 = tpu.reduce_index %select_n3A_557 {axis = 1 : i32, kind = #tpu.reduction_kind<arg_max>} : vector<256x512xf32> -> vector<256xi32>
    %broadcast_in_dim3A_562 = vector.shape_cast %argmax3A_561 : vector<256xi32> to vector<256x1xi32>
    %add3A_563 = arith.constant 1024 : i32
    %add3A_564 = vector.broadcast %add3A_563 : i32 to vector<256x1xi32>
    %add3A_565 = arith.addi %broadcast_in_dim3A_562, %add3A_564 : vector<256x1xi32>
    %eq3A_566 = vector.broadcast %broadcast_in_dim3A_562 : vector<256x1xi32> to vector<256x512xi32>
    %eq3A_567 = arith.cmpi eq, %iota3A_414, %eq3A_566 : vector<256x512xi32>
    %jit3A_568 = arith.constant 0xFF800000 : f32
    %broadcast_in_dim3A_569 = vector.broadcast %jit3A_568 : f32 to vector<256x512xf32>
    %select_n3A_570 = arith.select %eq3A_567, %broadcast_in_dim3A_569, %select_n3A_557 : vector<256x512xi1>, vector<256x512xf32>
    %reduce_max3A_571 = arith.constant dense<0xFF800000> : vector<256xf32>
    %reduce_max3A_572 = vector.multi_reduction <maximumf>, %select_n3A_570, %reduce_max3A_571 [1] : vector<256x512xf32> to vector<256xf32>
    %broadcast_in_dim3A_573 = vector.shape_cast %reduce_max3A_572 : vector<256xf32> to vector<256x1xf32>
    %argmax3A_574 = tpu.reduce_index %select_n3A_570 {axis = 1 : i32, kind = #tpu.reduction_kind<arg_max>} : vector<256x512xf32> -> vector<256xi32>
    %broadcast_in_dim3A_575 = vector.shape_cast %argmax3A_574 : vector<256xi32> to vector<256x1xi32>
    %add3A_576 = arith.constant 1024 : i32
    %add3A_577 = vector.broadcast %add3A_576 : i32 to vector<256x1xi32>
    %add3A_578 = arith.addi %broadcast_in_dim3A_575, %add3A_577 : vector<256x1xi32>
    %eq3A_579 = vector.broadcast %broadcast_in_dim3A_575 : vector<256x1xi32> to vector<256x512xi32>
    %eq3A_580 = arith.cmpi eq, %iota3A_414, %eq3A_579 : vector<256x512xi32>
    %jit3A_581 = arith.constant 0xFF800000 : f32
    %broadcast_in_dim3A_582 = vector.broadcast %jit3A_581 : f32 to vector<256x512xf32>
    %select_n3A_583 = arith.select %eq3A_580, %broadcast_in_dim3A_582, %select_n3A_570 : vector<256x512xi1>, vector<256x512xf32>
    %reduce_max3A_584 = arith.constant dense<0xFF800000> : vector<256xf32>
    %reduce_max3A_585 = vector.multi_reduction <maximumf>, %select_n3A_583, %reduce_max3A_584 [1] : vector<256x512xf32> to vector<256xf32>
    %broadcast_in_dim3A_586 = vector.shape_cast %reduce_max3A_585 : vector<256xf32> to vector<256x1xf32>
    %argmax3A_587 = tpu.reduce_index %select_n3A_583 {axis = 1 : i32, kind = #tpu.reduction_kind<arg_max>} : vector<256x512xf32> -> vector<256xi32>
    %broadcast_in_dim3A_588 = vector.shape_cast %argmax3A_587 : vector<256xi32> to vector<256x1xi32>
    %add3A_589 = arith.constant 1024 : i32
    %add3A_590 = vector.broadcast %add3A_589 : i32 to vector<256x1xi32>
    %add3A_591 = arith.addi %broadcast_in_dim3A_588, %add3A_590 : vector<256x1xi32>
    %eq3A_592 = vector.broadcast %broadcast_in_dim3A_588 : vector<256x1xi32> to vector<256x512xi32>
    %eq3A_593 = arith.cmpi eq, %iota3A_414, %eq3A_592 : vector<256x512xi32>
    %jit3A_594 = arith.constant 0xFF800000 : f32
    %broadcast_in_dim3A_595 = vector.broadcast %jit3A_594 : f32 to vector<256x512xf32>
    %select_n3A_596 = arith.select %eq3A_593, %broadcast_in_dim3A_595, %select_n3A_583 : vector<256x512xi1>, vector<256x512xf32>
    %reduce_max3A_597 = arith.constant dense<0xFF800000> : vector<256xf32>
    %reduce_max3A_598 = vector.multi_reduction <maximumf>, %select_n3A_596, %reduce_max3A_597 [1] : vector<256x512xf32> to vector<256xf32>
    %broadcast_in_dim3A_599 = vector.shape_cast %reduce_max3A_598 : vector<256xf32> to vector<256x1xf32>
    %argmax3A_600 = tpu.reduce_index %select_n3A_596 {axis = 1 : i32, kind = #tpu.reduction_kind<arg_max>} : vector<256x512xf32> -> vector<256xi32>
    %broadcast_in_dim3A_601 = vector.shape_cast %argmax3A_600 : vector<256xi32> to vector<256x1xi32>
    %add3A_602 = arith.constant 1024 : i32
    %add3A_603 = vector.broadcast %add3A_602 : i32 to vector<256x1xi32>
    %add3A_604 = arith.addi %broadcast_in_dim3A_601, %add3A_603 : vector<256x1xi32>
    %eq3A_605 = vector.broadcast %broadcast_in_dim3A_601 : vector<256x1xi32> to vector<256x512xi32>
    %eq3A_606 = arith.cmpi eq, %iota3A_414, %eq3A_605 : vector<256x512xi32>
    %jit3A_607 = arith.constant 0xFF800000 : f32
    %broadcast_in_dim3A_608 = vector.broadcast %jit3A_607 : f32 to vector<256x512xf32>
    %select_n3A_609 = arith.select %eq3A_606, %broadcast_in_dim3A_608, %select_n3A_596 : vector<256x512xi1>, vector<256x512xf32>
    %reduce_max3A_610 = arith.constant dense<0xFF800000> : vector<256xf32>
    %reduce_max3A_611 = vector.multi_reduction <maximumf>, %select_n3A_609, %reduce_max3A_610 [1] : vector<256x512xf32> to vector<256xf32>
    %broadcast_in_dim3A_612 = vector.shape_cast %reduce_max3A_611 : vector<256xf32> to vector<256x1xf32>
    %argmax3A_613 = tpu.reduce_index %select_n3A_609 {axis = 1 : i32, kind = #tpu.reduction_kind<arg_max>} : vector<256x512xf32> -> vector<256xi32>
    %broadcast_in_dim3A_614 = vector.shape_cast %argmax3A_613 : vector<256xi32> to vector<256x1xi32>
    %add3A_615 = arith.constant 1024 : i32
    %add3A_616 = vector.broadcast %add3A_615 : i32 to vector<256x1xi32>
    %add3A_617 = arith.addi %broadcast_in_dim3A_614, %add3A_616 : vector<256x1xi32>
    %slice3A_618 = vector.extract_strided_slice %dot_general3A_11 {offsets = [0, 1536], sizes = [256, 512], strides = [1, 1]} : vector<256x2048xf32> to vector<256x512xf32>
    %iota3A_619 = tpu.iota {dimensions = array<i32: 1>} : vector<256x512xi32>
    %reduce_max3A_620 = arith.constant dense<0xFF800000> : vector<256xf32>
    %reduce_max3A_621 = vector.multi_reduction <maximumf>, %slice3A_618, %reduce_max3A_620 [1] : vector<256x512xf32> to vector<256xf32>
    %broadcast_in_dim3A_622 = vector.shape_cast %reduce_max3A_621 : vector<256xf32> to vector<256x1xf32>
    %argmax3A_623 = tpu.reduce_index %slice3A_618 {axis = 1 : i32, kind = #tpu.reduction_kind<arg_max>} : vector<256x512xf32> -> vector<256xi32>
    %broadcast_in_dim3A_624 = vector.shape_cast %argmax3A_623 : vector<256xi32> to vector<256x1xi32>
    %add3A_625 = arith.constant 1536 : i32
    %add3A_626 = vector.broadcast %add3A_625 : i32 to vector<256x1xi32>
    %add3A_627 = arith.addi %broadcast_in_dim3A_624, %add3A_626 : vector<256x1xi32>
    %eq3A_628 = vector.broadcast %broadcast_in_dim3A_624 : vector<256x1xi32> to vector<256x512xi32>
    %eq3A_629 = arith.cmpi eq, %iota3A_619, %eq3A_628 : vector<256x512xi32>
    %jit3A_630 = arith.constant 0xFF800000 : f32
    %broadcast_in_dim3A_631 = vector.broadcast %jit3A_630 : f32 to vector<256x512xf32>
    %select_n3A_632 = arith.select %eq3A_629, %broadcast_in_dim3A_631, %slice3A_618 : vector<256x512xi1>, vector<256x512xf32>
    %reduce_max3A_633 = arith.constant dense<0xFF800000> : vector<256xf32>
    %reduce_max3A_634 = vector.multi_reduction <maximumf>, %select_n3A_632, %reduce_max3A_633 [1] : vector<256x512xf32> to vector<256xf32>
    %broadcast_in_dim3A_635 = vector.shape_cast %reduce_max3A_634 : vector<256xf32> to vector<256x1xf32>
    %argmax3A_636 = tpu.reduce_index %select_n3A_632 {axis = 1 : i32, kind = #tpu.reduction_kind<arg_max>} : vector<256x512xf32> -> vector<256xi32>
    %broadcast_in_dim3A_637 = vector.shape_cast %argmax3A_636 : vector<256xi32> to vector<256x1xi32>
    %add3A_638 = arith.constant 1536 : i32
    %add3A_639 = vector.broadcast %add3A_638 : i32 to vector<256x1xi32>
    %add3A_640 = arith.addi %broadcast_in_dim3A_637, %add3A_639 : vector<256x1xi32>
    %eq3A_641 = vector.broadcast %broadcast_in_dim3A_637 : vector<256x1xi32> to vector<256x512xi32>
    %eq3A_642 = arith.cmpi eq, %iota3A_619, %eq3A_641 : vector<256x512xi32>
    %jit3A_643 = arith.constant 0xFF800000 : f32
    %broadcast_in_dim3A_644 = vector.broadcast %jit3A_643 : f32 to vector<256x512xf32>
    %select_n3A_645 = arith.select %eq3A_642, %broadcast_in_dim3A_644, %select_n3A_632 : vector<256x512xi1>, vector<256x512xf32>
    %reduce_max3A_646 = arith.constant dense<0xFF800000> : vector<256xf32>
    %reduce_max3A_647 = vector.multi_reduction <maximumf>, %select_n3A_645, %reduce_max3A_646 [1] : vector<256x512xf32> to vector<256xf32>
    %broadcast_in_dim3A_648 = vector.shape_cast %reduce_max3A_647 : vector<256xf32> to vector<256x1xf32>
    %argmax3A_649 = tpu.reduce_index %select_n3A_645 {axis = 1 : i32, kind = #tpu.reduction_kind<arg_max>} : vector<256x512xf32> -> vector<256xi32>
    %broadcast_in_dim3A_650 = vector.shape_cast %argmax3A_649 : vector<256xi32> to vector<256x1xi32>
    %add3A_651 = arith.constant 1536 : i32
    %add3A_652 = vector.broadcast %add3A_651 : i32 to vector<256x1xi32>
    %add3A_653 = arith.addi %broadcast_in_dim3A_650, %add3A_652 : vector<256x1xi32>
    %eq3A_654 = vector.broadcast %broadcast_in_dim3A_650 : vector<256x1xi32> to vector<256x512xi32>
    %eq3A_655 = arith.cmpi eq, %iota3A_619, %eq3A_654 : vector<256x512xi32>
    %jit3A_656 = arith.constant 0xFF800000 : f32
    %broadcast_in_dim3A_657 = vector.broadcast %jit3A_656 : f32 to vector<256x512xf32>
    %select_n3A_658 = arith.select %eq3A_655, %broadcast_in_dim3A_657, %select_n3A_645 : vector<256x512xi1>, vector<256x512xf32>
    %reduce_max3A_659 = arith.constant dense<0xFF800000> : vector<256xf32>
    %reduce_max3A_660 = vector.multi_reduction <maximumf>, %select_n3A_658, %reduce_max3A_659 [1] : vector<256x512xf32> to vector<256xf32>
    %broadcast_in_dim3A_661 = vector.shape_cast %reduce_max3A_660 : vector<256xf32> to vector<256x1xf32>
    %argmax3A_662 = tpu.reduce_index %select_n3A_658 {axis = 1 : i32, kind = #tpu.reduction_kind<arg_max>} : vector<256x512xf32> -> vector<256xi32>
    %broadcast_in_dim3A_663 = vector.shape_cast %argmax3A_662 : vector<256xi32> to vector<256x1xi32>
    %add3A_664 = arith.constant 1536 : i32
    %add3A_665 = vector.broadcast %add3A_664 : i32 to vector<256x1xi32>
    %add3A_666 = arith.addi %broadcast_in_dim3A_663, %add3A_665 : vector<256x1xi32>
    %eq3A_667 = vector.broadcast %broadcast_in_dim3A_663 : vector<256x1xi32> to vector<256x512xi32>
    %eq3A_668 = arith.cmpi eq, %iota3A_619, %eq3A_667 : vector<256x512xi32>
    %jit3A_669 = arith.constant 0xFF800000 : f32
    %broadcast_in_dim3A_670 = vector.broadcast %jit3A_669 : f32 to vector<256x512xf32>
    %select_n3A_671 = arith.select %eq3A_668, %broadcast_in_dim3A_670, %select_n3A_658 : vector<256x512xi1>, vector<256x512xf32>
    %reduce_max3A_672 = arith.constant dense<0xFF800000> : vector<256xf32>
    %reduce_max3A_673 = vector.multi_reduction <maximumf>, %select_n3A_671, %reduce_max3A_672 [1] : vector<256x512xf32> to vector<256xf32>
    %broadcast_in_dim3A_674 = vector.shape_cast %reduce_max3A_673 : vector<256xf32> to vector<256x1xf32>
    %argmax3A_675 = tpu.reduce_index %select_n3A_671 {axis = 1 : i32, kind = #tpu.reduction_kind<arg_max>} : vector<256x512xf32> -> vector<256xi32>
    %broadcast_in_dim3A_676 = vector.shape_cast %argmax3A_675 : vector<256xi32> to vector<256x1xi32>
    %add3A_677 = arith.constant 1536 : i32
    %add3A_678 = vector.broadcast %add3A_677 : i32 to vector<256x1xi32>
    %add3A_679 = arith.addi %broadcast_in_dim3A_676, %add3A_678 : vector<256x1xi32>
    %eq3A_680 = vector.broadcast %broadcast_in_dim3A_676 : vector<256x1xi32> to vector<256x512xi32>
    %eq3A_681 = arith.cmpi eq, %iota3A_619, %eq3A_680 : vector<256x512xi32>
    %jit3A_682 = arith.constant 0xFF800000 : f32
    %broadcast_in_dim3A_683 = vector.broadcast %jit3A_682 : f32 to vector<256x512xf32>
    %select_n3A_684 = arith.select %eq3A_681, %broadcast_in_dim3A_683, %select_n3A_671 : vector<256x512xi1>, vector<256x512xf32>
    %reduce_max3A_685 = arith.constant dense<0xFF800000> : vector<256xf32>
    %reduce_max3A_686 = vector.multi_reduction <maximumf>, %select_n3A_684, %reduce_max3A_685 [1] : vector<256x512xf32> to vector<256xf32>
    %broadcast_in_dim3A_687 = vector.shape_cast %reduce_max3A_686 : vector<256xf32> to vector<256x1xf32>
    %argmax3A_688 = tpu.reduce_index %select_n3A_684 {axis = 1 : i32, kind = #tpu.reduction_kind<arg_max>} : vector<256x512xf32> -> vector<256xi32>
    %broadcast_in_dim3A_689 = vector.shape_cast %argmax3A_688 : vector<256xi32> to vector<256x1xi32>
    %add3A_690 = arith.constant 1536 : i32
    %add3A_691 = vector.broadcast %add3A_690 : i32 to vector<256x1xi32>
    %add3A_692 = arith.addi %broadcast_in_dim3A_689, %add3A_691 : vector<256x1xi32>
    %eq3A_693 = vector.broadcast %broadcast_in_dim3A_689 : vector<256x1xi32> to vector<256x512xi32>
    %eq3A_694 = arith.cmpi eq, %iota3A_619, %eq3A_693 : vector<256x512xi32>
    %jit3A_695 = arith.constant 0xFF800000 : f32
    %broadcast_in_dim3A_696 = vector.broadcast %jit3A_695 : f32 to vector<256x512xf32>
    %select_n3A_697 = arith.select %eq3A_694, %broadcast_in_dim3A_696, %select_n3A_684 : vector<256x512xi1>, vector<256x512xf32>
    %reduce_max3A_698 = arith.constant dense<0xFF800000> : vector<256xf32>
    %reduce_max3A_699 = vector.multi_reduction <maximumf>, %select_n3A_697, %reduce_max3A_698 [1] : vector<256x512xf32> to vector<256xf32>
    %broadcast_in_dim3A_700 = vector.shape_cast %reduce_max3A_699 : vector<256xf32> to vector<256x1xf32>
    %argmax3A_701 = tpu.reduce_index %select_n3A_697 {axis = 1 : i32, kind = #tpu.reduction_kind<arg_max>} : vector<256x512xf32> -> vector<256xi32>
    %broadcast_in_dim3A_702 = vector.shape_cast %argmax3A_701 : vector<256xi32> to vector<256x1xi32>
    %add3A_703 = arith.constant 1536 : i32
    %add3A_704 = vector.broadcast %add3A_703 : i32 to vector<256x1xi32>
    %add3A_705 = arith.addi %broadcast_in_dim3A_702, %add3A_704 : vector<256x1xi32>
    %eq3A_706 = vector.broadcast %broadcast_in_dim3A_702 : vector<256x1xi32> to vector<256x512xi32>
    %eq3A_707 = arith.cmpi eq, %iota3A_619, %eq3A_706 : vector<256x512xi32>
    %jit3A_708 = arith.constant 0xFF800000 : f32
    %broadcast_in_dim3A_709 = vector.broadcast %jit3A_708 : f32 to vector<256x512xf32>
    %select_n3A_710 = arith.select %eq3A_707, %broadcast_in_dim3A_709, %select_n3A_697 : vector<256x512xi1>, vector<256x512xf32>
    %reduce_max3A_711 = arith.constant dense<0xFF800000> : vector<256xf32>
    %reduce_max3A_712 = vector.multi_reduction <maximumf>, %select_n3A_710, %reduce_max3A_711 [1] : vector<256x512xf32> to vector<256xf32>
    %broadcast_in_dim3A_713 = vector.shape_cast %reduce_max3A_712 : vector<256xf32> to vector<256x1xf32>
    %argmax3A_714 = tpu.reduce_index %select_n3A_710 {axis = 1 : i32, kind = #tpu.reduction_kind<arg_max>} : vector<256x512xf32> -> vector<256xi32>
    %broadcast_in_dim3A_715 = vector.shape_cast %argmax3A_714 : vector<256xi32> to vector<256x1xi32>
    %add3A_716 = arith.constant 1536 : i32
    %add3A_717 = vector.broadcast %add3A_716 : i32 to vector<256x1xi32>
    %add3A_718 = arith.addi %broadcast_in_dim3A_715, %add3A_717 : vector<256x1xi32>
    %eq3A_719 = vector.broadcast %broadcast_in_dim3A_715 : vector<256x1xi32> to vector<256x512xi32>
    %eq3A_720 = arith.cmpi eq, %iota3A_619, %eq3A_719 : vector<256x512xi32>
    %jit3A_721 = arith.constant 0xFF800000 : f32
    %broadcast_in_dim3A_722 = vector.broadcast %jit3A_721 : f32 to vector<256x512xf32>
    %select_n3A_723 = arith.select %eq3A_720, %broadcast_in_dim3A_722, %select_n3A_710 : vector<256x512xi1>, vector<256x512xf32>
    %reduce_max3A_724 = arith.constant dense<0xFF800000> : vector<256xf32>
    %reduce_max3A_725 = vector.multi_reduction <maximumf>, %select_n3A_723, %reduce_max3A_724 [1] : vector<256x512xf32> to vector<256xf32>
    %broadcast_in_dim3A_726 = vector.shape_cast %reduce_max3A_725 : vector<256xf32> to vector<256x1xf32>
    %argmax3A_727 = tpu.reduce_index %select_n3A_723 {axis = 1 : i32, kind = #tpu.reduction_kind<arg_max>} : vector<256x512xf32> -> vector<256xi32>
    %broadcast_in_dim3A_728 = vector.shape_cast %argmax3A_727 : vector<256xi32> to vector<256x1xi32>
    %add3A_729 = arith.constant 1536 : i32
    %add3A_730 = vector.broadcast %add3A_729 : i32 to vector<256x1xi32>
    %add3A_731 = arith.addi %broadcast_in_dim3A_728, %add3A_730 : vector<256x1xi32>
    %eq3A_732 = vector.broadcast %broadcast_in_dim3A_728 : vector<256x1xi32> to vector<256x512xi32>
    %eq3A_733 = arith.cmpi eq, %iota3A_619, %eq3A_732 : vector<256x512xi32>
    %jit3A_734 = arith.constant 0xFF800000 : f32
    %broadcast_in_dim3A_735 = vector.broadcast %jit3A_734 : f32 to vector<256x512xf32>
    %select_n3A_736 = arith.select %eq3A_733, %broadcast_in_dim3A_735, %select_n3A_723 : vector<256x512xi1>, vector<256x512xf32>
    %reduce_max3A_737 = arith.constant dense<0xFF800000> : vector<256xf32>
    %reduce_max3A_738 = vector.multi_reduction <maximumf>, %select_n3A_736, %reduce_max3A_737 [1] : vector<256x512xf32> to vector<256xf32>
    %broadcast_in_dim3A_739 = vector.shape_cast %reduce_max3A_738 : vector<256xf32> to vector<256x1xf32>
    %argmax3A_740 = tpu.reduce_index %select_n3A_736 {axis = 1 : i32, kind = #tpu.reduction_kind<arg_max>} : vector<256x512xf32> -> vector<256xi32>
    %broadcast_in_dim3A_741 = vector.shape_cast %argmax3A_740 : vector<256xi32> to vector<256x1xi32>
    %add3A_742 = arith.constant 1536 : i32
    %add3A_743 = vector.broadcast %add3A_742 : i32 to vector<256x1xi32>
    %add3A_744 = arith.addi %broadcast_in_dim3A_741, %add3A_743 : vector<256x1xi32>
    %eq3A_745 = vector.broadcast %broadcast_in_dim3A_741 : vector<256x1xi32> to vector<256x512xi32>
    %eq3A_746 = arith.cmpi eq, %iota3A_619, %eq3A_745 : vector<256x512xi32>
    %jit3A_747 = arith.constant 0xFF800000 : f32
    %broadcast_in_dim3A_748 = vector.broadcast %jit3A_747 : f32 to vector<256x512xf32>
    %select_n3A_749 = arith.select %eq3A_746, %broadcast_in_dim3A_748, %select_n3A_736 : vector<256x512xi1>, vector<256x512xf32>
    %reduce_max3A_750 = arith.constant dense<0xFF800000> : vector<256xf32>
    %reduce_max3A_751 = vector.multi_reduction <maximumf>, %select_n3A_749, %reduce_max3A_750 [1] : vector<256x512xf32> to vector<256xf32>
    %broadcast_in_dim3A_752 = vector.shape_cast %reduce_max3A_751 : vector<256xf32> to vector<256x1xf32>
    %argmax3A_753 = tpu.reduce_index %select_n3A_749 {axis = 1 : i32, kind = #tpu.reduction_kind<arg_max>} : vector<256x512xf32> -> vector<256xi32>
    %broadcast_in_dim3A_754 = vector.shape_cast %argmax3A_753 : vector<256xi32> to vector<256x1xi32>
    %add3A_755 = arith.constant 1536 : i32
    %add3A_756 = vector.broadcast %add3A_755 : i32 to vector<256x1xi32>
    %add3A_757 = arith.addi %broadcast_in_dim3A_754, %add3A_756 : vector<256x1xi32>
    %eq3A_758 = vector.broadcast %broadcast_in_dim3A_754 : vector<256x1xi32> to vector<256x512xi32>
    %eq3A_759 = arith.cmpi eq, %iota3A_619, %eq3A_758 : vector<256x512xi32>
    %jit3A_760 = arith.constant 0xFF800000 : f32
    %broadcast_in_dim3A_761 = vector.broadcast %jit3A_760 : f32 to vector<256x512xf32>
    %select_n3A_762 = arith.select %eq3A_759, %broadcast_in_dim3A_761, %select_n3A_749 : vector<256x512xi1>, vector<256x512xf32>
    %reduce_max3A_763 = arith.constant dense<0xFF800000> : vector<256xf32>
    %reduce_max3A_764 = vector.multi_reduction <maximumf>, %select_n3A_762, %reduce_max3A_763 [1] : vector<256x512xf32> to vector<256xf32>
    %broadcast_in_dim3A_765 = vector.shape_cast %reduce_max3A_764 : vector<256xf32> to vector<256x1xf32>
    %argmax3A_766 = tpu.reduce_index %select_n3A_762 {axis = 1 : i32, kind = #tpu.reduction_kind<arg_max>} : vector<256x512xf32> -> vector<256xi32>
    %broadcast_in_dim3A_767 = vector.shape_cast %argmax3A_766 : vector<256xi32> to vector<256x1xi32>
    %add3A_768 = arith.constant 1536 : i32
    %add3A_769 = vector.broadcast %add3A_768 : i32 to vector<256x1xi32>
    %add3A_770 = arith.addi %broadcast_in_dim3A_767, %add3A_769 : vector<256x1xi32>
    %eq3A_771 = vector.broadcast %broadcast_in_dim3A_767 : vector<256x1xi32> to vector<256x512xi32>
    %eq3A_772 = arith.cmpi eq, %iota3A_619, %eq3A_771 : vector<256x512xi32>
    %jit3A_773 = arith.constant 0xFF800000 : f32
    %broadcast_in_dim3A_774 = vector.broadcast %jit3A_773 : f32 to vector<256x512xf32>
    %select_n3A_775 = arith.select %eq3A_772, %broadcast_in_dim3A_774, %select_n3A_762 : vector<256x512xi1>, vector<256x512xf32>
    %reduce_max3A_776 = arith.constant dense<0xFF800000> : vector<256xf32>
    %reduce_max3A_777 = vector.multi_reduction <maximumf>, %select_n3A_775, %reduce_max3A_776 [1] : vector<256x512xf32> to vector<256xf32>
    %broadcast_in_dim3A_778 = vector.shape_cast %reduce_max3A_777 : vector<256xf32> to vector<256x1xf32>
    %argmax3A_779 = tpu.reduce_index %select_n3A_775 {axis = 1 : i32, kind = #tpu.reduction_kind<arg_max>} : vector<256x512xf32> -> vector<256xi32>
    %broadcast_in_dim3A_780 = vector.shape_cast %argmax3A_779 : vector<256xi32> to vector<256x1xi32>
    %add3A_781 = arith.constant 1536 : i32
    %add3A_782 = vector.broadcast %add3A_781 : i32 to vector<256x1xi32>
    %add3A_783 = arith.addi %broadcast_in_dim3A_780, %add3A_782 : vector<256x1xi32>
    %eq3A_784 = vector.broadcast %broadcast_in_dim3A_780 : vector<256x1xi32> to vector<256x512xi32>
    %eq3A_785 = arith.cmpi eq, %iota3A_619, %eq3A_784 : vector<256x512xi32>
    %jit3A_786 = arith.constant 0xFF800000 : f32
    %broadcast_in_dim3A_787 = vector.broadcast %jit3A_786 : f32 to vector<256x512xf32>
    %select_n3A_788 = arith.select %eq3A_785, %broadcast_in_dim3A_787, %select_n3A_775 : vector<256x512xi1>, vector<256x512xf32>
    %reduce_max3A_789 = arith.constant dense<0xFF800000> : vector<256xf32>
    %reduce_max3A_790 = vector.multi_reduction <maximumf>, %select_n3A_788, %reduce_max3A_789 [1] : vector<256x512xf32> to vector<256xf32>
    %broadcast_in_dim3A_791 = vector.shape_cast %reduce_max3A_790 : vector<256xf32> to vector<256x1xf32>
    %argmax3A_792 = tpu.reduce_index %select_n3A_788 {axis = 1 : i32, kind = #tpu.reduction_kind<arg_max>} : vector<256x512xf32> -> vector<256xi32>
    %broadcast_in_dim3A_793 = vector.shape_cast %argmax3A_792 : vector<256xi32> to vector<256x1xi32>
    %add3A_794 = arith.constant 1536 : i32
    %add3A_795 = vector.broadcast %add3A_794 : i32 to vector<256x1xi32>
    %add3A_796 = arith.addi %broadcast_in_dim3A_793, %add3A_795 : vector<256x1xi32>
    %eq3A_797 = vector.broadcast %broadcast_in_dim3A_793 : vector<256x1xi32> to vector<256x512xi32>
    %eq3A_798 = arith.cmpi eq, %iota3A_619, %eq3A_797 : vector<256x512xi32>
    %jit3A_799 = arith.constant 0xFF800000 : f32
    %broadcast_in_dim3A_800 = vector.broadcast %jit3A_799 : f32 to vector<256x512xf32>
    %select_n3A_801 = arith.select %eq3A_798, %broadcast_in_dim3A_800, %select_n3A_788 : vector<256x512xi1>, vector<256x512xf32>
    %reduce_max3A_802 = arith.constant dense<0xFF800000> : vector<256xf32>
    %reduce_max3A_803 = vector.multi_reduction <maximumf>, %select_n3A_801, %reduce_max3A_802 [1] : vector<256x512xf32> to vector<256xf32>
    %broadcast_in_dim3A_804 = vector.shape_cast %reduce_max3A_803 : vector<256xf32> to vector<256x1xf32>
    %argmax3A_805 = tpu.reduce_index %select_n3A_801 {axis = 1 : i32, kind = #tpu.reduction_kind<arg_max>} : vector<256x512xf32> -> vector<256xi32>
    %broadcast_in_dim3A_806 = vector.shape_cast %argmax3A_805 : vector<256xi32> to vector<256x1xi32>
    %add3A_807 = arith.constant 1536 : i32
    %add3A_808 = vector.broadcast %add3A_807 : i32 to vector<256x1xi32>
    %add3A_809 = arith.addi %broadcast_in_dim3A_806, %add3A_808 : vector<256x1xi32>
    %eq3A_810 = vector.broadcast %broadcast_in_dim3A_806 : vector<256x1xi32> to vector<256x512xi32>
    %eq3A_811 = arith.cmpi eq, %iota3A_619, %eq3A_810 : vector<256x512xi32>
    %jit3A_812 = arith.constant 0xFF800000 : f32
    %broadcast_in_dim3A_813 = vector.broadcast %jit3A_812 : f32 to vector<256x512xf32>
    %select_n3A_814 = arith.select %eq3A_811, %broadcast_in_dim3A_813, %select_n3A_801 : vector<256x512xi1>, vector<256x512xf32>
    %reduce_max3A_815 = arith.constant dense<0xFF800000> : vector<256xf32>
    %reduce_max3A_816 = vector.multi_reduction <maximumf>, %select_n3A_814, %reduce_max3A_815 [1] : vector<256x512xf32> to vector<256xf32>
    %broadcast_in_dim3A_817 = vector.shape_cast %reduce_max3A_816 : vector<256xf32> to vector<256x1xf32>
    %argmax3A_818 = tpu.reduce_index %select_n3A_814 {axis = 1 : i32, kind = #tpu.reduction_kind<arg_max>} : vector<256x512xf32> -> vector<256xi32>
    %broadcast_in_dim3A_819 = vector.shape_cast %argmax3A_818 : vector<256xi32> to vector<256x1xi32>
    %add3A_820 = arith.constant 1536 : i32
    %add3A_821 = vector.broadcast %add3A_820 : i32 to vector<256x1xi32>
    %add3A_822 = arith.addi %broadcast_in_dim3A_819, %add3A_821 : vector<256x1xi32>
    %concatenate3A = tpu.concatenate %broadcast_in_dim3A, %broadcast_in_dim3A_20, %broadcast_in_dim3A_33, %broadcast_in_dim3A_46, %broadcast_in_dim3A_59, %broadcast_in_dim3A_72, %broadcast_in_dim3A_85, %broadcast_in_dim3A_98, %broadcast_in_dim3A_111, %broadcast_in_dim3A_124, %broadcast_in_dim3A_137, %broadcast_in_dim3A_150, %broadcast_in_dim3A_163, %broadcast_in_dim3A_176, %broadcast_in_dim3A_189, %broadcast_in_dim3A_202, %broadcast_in_dim3A_212, %broadcast_in_dim3A_225, %broadcast_in_dim3A_238, %broadcast_in_dim3A_251, %broadcast_in_dim3A_264, %broadcast_in_dim3A_277, %broadcast_in_dim3A_290, %broadcast_in_dim3A_303, %broadcast_in_dim3A_316, %broadcast_in_dim3A_329, %broadcast_in_dim3A_342, %broadcast_in_dim3A_355, %broadcast_in_dim3A_368, %broadcast_in_dim3A_381, %broadcast_in_dim3A_394, %broadcast_in_dim3A_407, %broadcast_in_dim3A_417, %broadcast_in_dim3A_430, %broadcast_in_dim3A_443, %broadcast_in_dim3A_456, %broadcast_in_dim3A_469, %broadcast_in_dim3A_482, %broadcast_in_dim3A_495, %broadcast_in_dim3A_508, %broadcast_in_dim3A_521, %broadcast_in_dim3A_534, %broadcast_in_dim3A_547, %broadcast_in_dim3A_560, %broadcast_in_dim3A_573, %broadcast_in_dim3A_586, %broadcast_in_dim3A_599, %broadcast_in_dim3A_612, %broadcast_in_dim3A_622, %broadcast_in_dim3A_635, %broadcast_in_dim3A_648, %broadcast_in_dim3A_661, %broadcast_in_dim3A_674, %broadcast_in_dim3A_687, %broadcast_in_dim3A_700, %broadcast_in_dim3A_713, %broadcast_in_dim3A_726, %broadcast_in_dim3A_739, %broadcast_in_dim3A_752, %broadcast_in_dim3A_765, %broadcast_in_dim3A_778, %broadcast_in_dim3A_791, %broadcast_in_dim3A_804, %broadcast_in_dim3A_817 in 1 : vector<256x1xf32>, vector<256x1xf32>, vector<256x1xf32>, vector<256x1xf32>, vector<256x1xf32>, vector<256x1xf32>, vector<256x1xf32>, vector<256x1xf32>, vector<256x1xf32>, vector<256x1xf32>, vector<256x1xf32>, vector<256x1xf32>, vector<256x1xf32>, vector<256x1xf32>, vector<256x1xf32>, vector<256x1xf32>, vector<256x1xf32>, vector<256x1xf32>, vector<256x1xf32>, vector<256x1xf32>, vector<256x1xf32>, vector<256x1xf32>, vector<256x1xf32>, vector<256x1xf32>, vector<256x1xf32>, vector<256x1xf32>, vector<256x1xf32>, vector<256x1xf32>, vector<256x1xf32>, vector<256x1xf32>, vector<256x1xf32>, vector<256x1xf32>, vector<256x1xf32>, vector<256x1xf32>, vector<256x1xf32>, vector<256x1xf32>, vector<256x1xf32>, vector<256x1xf32>, vector<256x1xf32>, vector<256x1xf32>, vector<256x1xf32>, vector<256x1xf32>, vector<256x1xf32>, vector<256x1xf32>, vector<256x1xf32>, vector<256x1xf32>, vector<256x1xf32>, vector<256x1xf32>, vector<256x1xf32>, vector<256x1xf32>, vector<256x1xf32>, vector<256x1xf32>, vector<256x1xf32>, vector<256x1xf32>, vector<256x1xf32>, vector<256x1xf32>, vector<256x1xf32>, vector<256x1xf32>, vector<256x1xf32>, vector<256x1xf32>, vector<256x1xf32>, vector<256x1xf32>, vector<256x1xf32>, vector<256x1xf32> -> vector<256x64xf32>
    %swap3A = arith.constant 0 : index
    %swap3A_823 = arith.constant 0 : index
    %swap3A_824 = arith.constant 0 : index
    %swap3A_825 = vector.load %arg4[%swap3A, %swap3A_823, %swap3A_824] : memref<1x256x64xf32, #tpu.memory_space<vmem>>, vector<1x256x64xf32>
    %swap3A_826 = vector.shape_cast %swap3A_825 : vector<1x256x64xf32> to vector<256x64xf32>
    %swap3A_827 = vector.shape_cast %concatenate3A : vector<256x64xf32> to vector<1x256x64xf32>
    tpu.vector_store %arg4[%swap3A, %swap3A_823, %swap3A_824], %swap3A_827 {strides = array<i32>} : memref<1x256x64xf32, #tpu.memory_space<vmem>>, vector<1x256x64xf32>,
    %concatenate3A_828 = tpu.concatenate %add3A_15, %add3A_25, %add3A_38, %add3A_51, %add3A_64, %add3A_77, %add3A_90, %add3A_103, %add3A_116, %add3A_129, %add3A_142, %add3A_155, %add3A_168, %add3A_181, %add3A_194, %add3A_207, %add3A_217, %add3A_230, %add3A_243, %add3A_256, %add3A_269, %add3A_282, %add3A_295, %add3A_308, %add3A_321, %add3A_334, %add3A_347, %add3A_360, %add3A_373, %add3A_386, %add3A_399, %add3A_412, %add3A_422, %add3A_435, %add3A_448, %add3A_461, %add3A_474, %add3A_487, %add3A_500, %add3A_513, %add3A_526, %add3A_539, %add3A_552, %add3A_565, %add3A_578, %add3A_591, %add3A_604, %add3A_617, %add3A_627, %add3A_640, %add3A_653, %add3A_666, %add3A_679, %add3A_692, %add3A_705, %add3A_718, %add3A_731, %add3A_744, %add3A_757, %add3A_770, %add3A_783, %add3A_796, %add3A_809, %add3A_822 in 1 : vector<256x1xi32>, vector<256x1xi32>, vector<256x1xi32>, vector<256x1xi32>, vector<256x1xi32>, vector<256x1xi32>, vector<256x1xi32>, vector<256x1xi32>, vector<256x1xi32>, vector<256x1xi32>, vector<256x1xi32>, vector<256x1xi32>, vector<256x1xi32>, vector<256x1xi32>, vector<256x1xi32>, vector<256x1xi32>, vector<256x1xi32>, vector<256x1xi32>, vector<256x1xi32>, vector<256x1xi32>, vector<256x1xi32>, vector<256x1xi32>, vector<256x1xi32>, vector<256x1xi32>, vector<256x1xi32>, vector<256x1xi32>, vector<256x1xi32>, vector<256x1xi32>, vector<256x1xi32>, vector<256x1xi32>, vector<256x1xi32>, vector<256x1xi32>, vector<256x1xi32>, vector<256x1xi32>, vector<256x1xi32>, vector<256x1xi32>, vector<256x1xi32>, vector<256x1xi32>, vector<256x1xi32>, vector<256x1xi32>, vector<256x1xi32>, vector<256x1xi32>, vector<256x1xi32>, vector<256x1xi32>, vector<256x1xi32>, vector<256x1xi32>, vector<256x1xi32>, vector<256x1xi32>, vector<256x1xi32>, vector<256x1xi32>, vector<256x1xi32>, vector<256x1xi32>, vector<256x1xi32>, vector<256x1xi32>, vector<256x1xi32>, vector<256x1xi32>, vector<256x1xi32>, vector<256x1xi32>, vector<256x1xi32>, vector<256x1xi32>, vector<256x1xi32>, vector<256x1xi32>, vector<256x1xi32>, vector<256x1xi32> -> vector<256x64xi32>
    %swap3A_829 = arith.constant 0 : index
    %swap3A_830 = arith.constant 0 : index
    %swap3A_831 = arith.constant 0 : index
    %swap3A_832 = vector.load %arg5[%swap3A_829, %swap3A_830, %swap3A_831] : memref<1x256x64xi32, #tpu.memory_space<vmem>>, vector<1x256x64xi32>
    %swap3A_833 = vector.shape_cast %swap3A_832 : vector<1x256x64xi32> to vector<256x64xi32>
    %swap3A_834 = vector.shape_cast %concatenate3A_828 : vector<256x64xi32> to vector<1x256x64xi32>
    tpu.vector_store %arg5[%swap3A_829, %swap3A_830, %swap3A_831], %swap3A_834 {strides = array<i32>} : memref<1x256x64xi32, #tpu.memory_space<vmem>>, vector<1x256x64xi32>,
    return
  }
  func.func @transform_0(%arg0: i32, %arg1: i32) -> (i32, i32, i32) {
    %c0_i32 = arith.constant 0 : i32
    %c0_i32_0 = arith.constant 0 : i32
    return %arg0, %arg1, %c0_i32 : i32, i32, i32
  }
  func.func @transform_1(%arg0: i32, %arg1: i32) -> (i32, i32, i32) {
    %c0_i32 = arith.constant 0 : i32
    %c0_i32_0 = arith.constant 0 : i32
    %c0_i32_1 = arith.constant 0 : i32
    return %arg0, %c0_i32, %c0_i32_0 : i32, i32, i32
  }
  func.func @transform_2(%arg0: i32, %arg1: i32) -> (i32, i32, i32) {
    %c0_i32 = arith.constant 0 : i32
    %c0_i32_0 = arith.constant 0 : i32
    return %arg0, %arg1, %c0_i32 : i32, i32, i32
  }
  func.func @transform_3(%arg0: i32, %arg1: i32) -> (i32, i32, i32) {
    %c0_i32 = arith.constant 0 : i32
    %c0_i32_0 = arith.constant 0 : i32
    return %arg0, %arg1, %c0_i32 : i32, i32, i32
  }
}

</mosaic_0001>

<sc_bundles>
// kernel: kernel.4.cloned.1.call-start
scs
__scs_entry_jumppad:
0x0: {  	(pc) =	sbr.rel $0x88, $3  }
0x1: {  	(tag) =	ssettag $0x0;
	lr =	simm.s32 $0x1  }
0x2: {  	[smem:$0x3F9F] =	sst lr;
	_ =	strace $0xD0000000  }
0x3: {  	_ = 	snop  }
0x4: {  	_ = 	snop  }
0x5: {  	_ = 	snop  }
0x6: {  	_ = 	snop  }
0x7: {  	_ = 	snop  }
__scs_overlays_trampoline_lowered:
0x8: {  	[smem:$0x3FAE] =	sst s0  }
0x9: {  	[smem:$0x3FAF] =	sst s1  }
0xa: {  	[smem:$0x3FB0] =	sst s2  }
0xb: {  	[smem:$0x3FB1] =	sst s3  }
0xc: {  	[smem:$0x3FB2] =	sst s4  }
0xd: {  	[smem:$0x3FB3] =	sst s5  }
0xe: {  	[smem:$0x3FB4] =	sst s6  }
0xf: {  	[smem:$0x3FB5] =	sst s7  }
0x10: {  	[smem:$0x3FB6] =	sst s8  }
0x11: {  	[smem:$0x3FB7] =	sst s9;
	s0 =	simm.s32 @!p0 $0x0  }
0x12: {  	s1 =	sld [smem:$0x3F9D];
	s0 =	simm.s32 @p0 $0x1  }
0x13: {  	[smem:$0x3FB8] =	sst s0;
	s0 =	simm.s32 @!p1 $0x0  }
0x14: {  	s2 =	sld [smem:$0x3F9C];
	s0 =	simm.s32 @p1 $0x1  }
0x15: {  	[smem:$0x3FB9] =	sst s0;
	s0 =	simm.s32 @!p2 $0x0  }
0x16: {  	s3 =	sld [smem:$0x3FDB];
	s0 =	simm.s32 @p2 $0x1  }
0x17: {  	s4 =	simm.s32 $0x1BF5;
	[smem:$0x3FBB] =	sst s0  }
0x18: {  	s0 =	sld [smem:$0x3F9E];
	_ =	swait.ge [sflag:s4], $0x0  }
0x19: {  	s7 =	sld [smem:$0x3F9F]  }
0x1a: {  	s8 =	sadd.s32 $0xFFFFE003, lr  }
0x1b: {  	s9 =	sadd.s32 $0xFFFFFEF7, lr;
	s5 =	simm.s32 $0xFFFFFFFF;
	p2 =	slt.u32 s8, $0xFFFFF086  }
0x1c: {  	p1 =	slt.u32 s9, $0xF7A;
	s5 =	simm.s32 @!p2 $0x0  }
0x1d: {  	s5 =	simm.s32 @p1 $0x1;
	p0 =	seq.s32 s7, s2  }
0x1e: {  	s7 =	smul.u32 @!p0 $0xF7A, s2;
	p2 =	seq.s32 @!p0 s5, $0x0  }
0x1f: {  	s9 =	smul.u32 $0xF7A, s1;
	s8 =	simm.s32 @!p0 $0x1BF5;
	p2 =	por !p2, p0  }
0x20: {  	[sflag:s8] =	ssyncset.s32 @!p0 $0xFFFFF086;
	s6 =	sadd.s32 @!p0 s3, s7;
	s7 =	simm.s32 @!p0 $0x108  }
0x21: {  	s3 =	sadd.s32 s3, s9;
	s6 =	sadd.s32 @!p0 $0x88, s6;
	s7 =	simm.s32 @p2 $0x1082  }
0x22: {  	[simem:s7], [sflag:s8] =	dma.local @!p0 [hbm:s6], $0xF7A  }
0x23: {  	s9 =	sor.u32 $0xD0000000, s2;
	s6 =	simm.s32 $0x108;
	_ =	swait.ge @!p0 [sflag:s8], $0x0  }
0x24: {  	s3 =	sadd.s32 $0x88, s3;
	s6 =	simm.s32 @!p1 $0x1082;
	[sflag:s4] =	ssyncset.s32 $0xFFFFF086  }
0x25: {  	[simem:s6], [sflag:s4] =	dma.local [hbm:s3], $0xF7A  }
0x26: {  	[smem:$0x3F9F] =	sst s1;
	(tag) =	ssettag s2;
	_ =	strace s9  }
0x27: {  	s1 =	sld [smem:$0x3FAF]  }
0x28: {  	s2 =	sld [smem:$0x3FB0]  }
0x29: {  	s4 =	sld [smem:$0x3FB2]  }
0x2a: {  	p0 =	seq.s32 s5, $0x0;
	s5 =	sld [smem:$0x3FB3]  }
0x2b: {  	s6 =	sld [smem:$0x3FB4]  }
0x2c: {  	s7 =	sld [smem:$0x3FB5]  }
0x2d: {  	s3 =	simm.s32 $0x108;
	s8 =	sld [smem:$0x3FB6]  }
0x2e: {  	s3 =	simm.s32 @!p0 $0x1082;
	s9 =	sld [smem:$0x3FB7]  }
0x2f: {  	lr =	sadd.s32 s0, s3;
	s0 =	sld [smem:$0x3FAE]  }
0x30: {  	s3 =	sld [smem:$0x3FB1]  }
0x31: {  	[smem:$0x3FBA] =	sst s10  }
0x32: {  	s10 =	sld [smem:$0x3FB8];
	_ =	sdelay $0x3  }
0x33: {  	p0 =	seq.s32 s10, $0x1;
	s10 =	sld [smem:$0x3FBA];
	_ =	sdelay $0x3  }
0x34: {  	[smem:$0x3FBA] =	sst s10  }
0x35: {  	s10 =	sld [smem:$0x3FB9];
	_ =	sdelay $0x3  }
0x36: {  	p1 =	seq.s32 s10, $0x1;
	s10 =	sld [smem:$0x3FBA];
	_ =	sdelay $0x3  }
0x37: {  	[smem:$0x3FBA] =	sst s10  }
0x38: {  	s10 =	sld [smem:$0x3FBB]  }
0x39: {  	_ = 	snop;
	(pc) =	sbr.ind lr, $3  }
0x3a: {  	_ = 	snop  }
0x3b: {  	_ = 	snop  }
0x3c: {  	p2 =	seq.s32 s10, $0x1;
	s10 =	sld [smem:$0x3FBA]  }
0x3d: {  	_ =	shalt  }
0x3e: {  	_ =	shalt  }
0x3f: {  	_ =	shalt  }
0x40: {  	_ =	shalt  }
0x41: {  	_ =	shalt  }
0x42: {  	_ =	shalt  }
0x43: {  	_ =	shalt  }
0x44: {  	_ =	shalt  }
0x45: {  	_ =	shalt  }
0x46: {  	_ =	shalt  }
0x47: {  	_ =	shalt  }
0x48: {  	_ =	shalt  }
0x49: {  	_ =	shalt  }
0x4a: {  	_ =	shalt  }
0x4b: {  	_ =	shalt  }
0x4c: {  	_ =	shalt  }
0x4d: {  	_ =	shalt  }
0x4e: {  	_ =	shalt  }
0x4f: {  	_ =	shalt  }
0x50: {  	_ =	shalt  }
0x51: {  	_ =	shalt  }
0x52: {  	_ =	shalt  }
0x53: {  	_ =	shalt  }
0x54: {  	_ =	shalt  }
0x55: {  	_ =	shalt  }
0x56: {  	_ =	shalt  }
0x57: {  	_ =	shalt  }
0x58: {  	_ =	shalt  }
0x59: {  	_ =	shalt  }
0x5a: {  	_ =	shalt  }
0x5b: {  	_ =	shalt  }
0x5c: {  	_ =	shalt  }
0x5d: {  	_ =	shalt  }
0x5e: {  	_ =	shalt  }
0x5f: {  	_ =	shalt  }
0x60: {  	_ =	shalt  }
0x61: {  	_ =	shalt  }
0x62: {  	_ =	shalt  }
0x63: {  	_ =	shalt  }
0x64: {  	_ =	shalt  }
0x65: {  	_ =	shalt  }
0x66: {  	_ =	shalt  }
0x67: {  	_ =	shalt  }
0x68: {  	_ =	shalt  }
0x69: {  	_ =	shalt  }
0x6a: {  	_ =	shalt  }
0x6b: {  	_ =	shalt  }
0x6c: {  	_ =	shalt  }
0x6d: {  	_ =	shalt  }
0x6e: {  	_ =	shalt  }
0x6f: {  	_ =	shalt  }
0x70: {  	_ =	shalt  }
0x71: {  	_ =	shalt  }
0x72: {  	_ =	shalt  }
0x73: {  	_ =	shalt  }
0x74: {  	_ =	shalt  }
0x75: {  	_ =	shalt  }
0x76: {  	_ =	shalt  }
0x77: {  	_ =	shalt  }
0x78: {  	_ =	shalt  }
0x79: {  	_ =	shalt  }
0x7a: {  	_ =	shalt  }
0x7b: {  	_ =	shalt  }
0x7c: {  	_ =	shalt  }
0x7d: {  	_ =	shalt  }
0x7e: {  	_ =	shalt  }
0x7f: {  	_ =	shalt  }
0x80: {  	_ =	shalt  }
0x81: {  	_ =	shalt  }
0x82: {  	_ =	shalt  }
0x83: {  	_ =	shalt  }
0x84: {  	_ =	shalt  }
0x85: {  	_ =	shalt  }
0x86: {  	_ =	shalt  }
0x87: {  	_ =	shalt  }
.Lfunc_end0:
.L_simem_size_0:
called_computation_lowered:
.L_overlay_start_0:
0x88: {  	s2 =	sld [smem:$0x3FD9]  }
0x89: {  	s3 =	sld [smem:$0x3FFE];
	_ =	sdelay $0x1  }
0x8a: {  	s1 =	srdreg.scid  }
0x8b: {  	s0 =	sand.u32 $0x1, s1  }
0x8c: {  	s16 =	sshll.u32 s0, $0xA;
	s2 =	sadd.s32 s3, s2  }
0x8d: {  	s2 =	sadd.s32 s2, s16  }
0x8e: {  	[smem:$0x3FC6] =	sst s2  }
0x8f: {  	_ = 	snop  }
0x90: {  	(tm) =	ssettm $0x1  }
0x91: {  	s17 =	sld [smem:$0x3FFB];
	_ =	sdelay $0x3  }
0x92: {  	_ =	strace s17  }
0x93: {  	s2 =	sld [smem:$0x3FFC];
	_ =	sdelay $0x3  }
0x94: {  	_ =	strace s2  }
0x95: {  	s2 =	sld [smem:$0x3FFD];
	_ =	sdelay $0x3  }
0x96: {  	_ =	strace s2  }
0x97: {  	_ =	strace $0x8FFFFFFF  }
0x98: {  	s18 =	sld [smem:$0x3FDB];
	_ =	sdelay $0x1  }
0x99: {  	s19 =	simm.s32 $_scs_section_size  }
0x9a: {  	s4 =	simm.s32 $_size__tile_overlayer_lowered;
	s5 =	simm.s32 $_tile_overlayer_lowered  }
0x9b: {  	s22 =	simm.s32 $0x1BFF;
	s21 =	sshll.u32 s5, $0x1;
	s2 =	sadd.s32 s19, s18  }
0x9c: {  	s6 =	simm.s32 $0x0;
	s20 =	sshll.u32 s4, $0x1;
	s4 =	sadd.s32 s21, s2  }
0x9d: {  	[timem:s6], [sflag:s22] =	dma.local [hbm:s4], s20  }
0x9e: {  	_ =	swait.ge [sflag:s22], s20  }
0x9f: {  	s3 =	ssub.s32 $0x0, s20;
	[sflag:s22] =	ssyncset.done $0x0  }
0xa0: {  	[sflag:s22] =	ssyncadd.s32 s3;
	_ =	sdelay $0x1  }
0xa1: {  	s23 =	simm.s32 $0x1B8B  }
0xa2: {  	_ =	swait.ge [sflag:s23], $0x1  }
0xa3: {  	[sflag:s23] =	ssyncset.done $0x0  }
0xa4: {  	s25 =	simm.s32 $0x1B8E;
	s24 =	sld [smem:$0x3FFE];
	[sflag:s23] =	ssyncadd.s32 $0xFFFFFFFF  }
0xa5: {  	s26 =	simm.s32 $execute0_lowered;
	[smem:$0x3FD2] =	sst s25  }
0xa6: {  	s4 =	sshll.u32 s26, $0x1;
	_ =	strace $0x80000046;
	[dreg:$0x1] =	wrdreg $0xFFFFFFFF  }
0xa7: {  	s28 =	simm.s32 $_size_execute0_lowered;
	s2 =	sadd.s32 s2, s4;
	[dreg:$0x0] =	wrdreg $0x0  }
0xa8: {  	s4 =	sshll.u32 s28, $0x1;
	[dreg:$0x2] =	wrdreg s2  }
0xa9: {  	[dreg:$0x3] =	wrdreg s4  }
0xaa: {  	[dreg:$0x4] =	wrdreg $0xC0  }
0xab: {  	_ =	task [dreg:s6], $0x5FFFF  }
0xac: {  	[dreg:$0x1] =	wrdreg $0xFFFFFFFF  }
0xad: {  	[dreg:$0x0] =	wrdreg $0x60  }
0xae: {  	[dreg:$0x2] =	wrdreg s24  }
0xaf: {  	[dreg:$0x3] =	wrdreg $0x9  }
0xb0: {  	_ =	task.clear_ibuf [dreg:s6], $0x4FFFF;
	_ =	strace $0x90000046  }
0xb1: {  	s29 =	simm.s32 $0x9;
	_ =	strace $0x80000048  }
0xb2: {  	_ =	swait.ge [sflag:s29], $0x1  }
0xb3: {  	[sflag:s29] =	ssyncadd.s32 $0xFFFFFFFF  }
0xb4: {  	_ =	strace $0x90000048  }
0xb5: {  	_ =	sfence  }
0xb6: {  	s30 =	sld [smem:$0x0];
	_ =	sdelay $0x2  }
0xb7: {  	s31 =	sshll.u32 s1, $0xD;
	s1 =	sshrl.u32 s1, $0x2  }
0xb8: {  	s3 =	sand.u32 $0x4000, s31;
	s1 =	sadd.s32 s1, s30  }
0xb9: {  	s0 =	sor.u32 s3, s0;
	s1 =	sshll.u32 s1, $0x11  }
0xba: {  	s0 =	sor.u32 s1, s0  }
0xbb: {  	s0 =	sadd.s32 $0x8F2B, s0  }
0xbc: {  	[sflag:s0] =	ssyncadd.remote.s32 $0x1  }
0xbd: {  	_ =	sfence.sel $0xFFFF  }
0xbe: {  	[dreg:$0x0] =	wrdreg $0xFFFFFFFF;
	(pc) =	sbr.abs _section_cstart, $3  }
0xbf: {  	[dreg:$0x1] =	wrdreg $0xFFFFFFFF  }
0xc0: {  	_ =	task.clear_ibuf [dreg:s6], $0x2FFFF;
	_ =	strace $0x9FFFFFFF  }
0xc1: {  	(tm) =	ssettm $0x7FFFFFFF  }
tec
execute0_lowered:
.L_overlay_start_1:
0x0: {  	(tag) =	ssettag $0x1  }
0x1: {  	s3 =	rddreg [dreg:$0x0]  }
0x2: {  	s0 =	rddreg [dreg:$0x1];
	s1 =	simm.s32 $0x0;
	s4 =	srdreg.scid  }
0x3: {  	s2 =	stileid.u32;
	s18 =	simm.s32 $0x8000;
	s19 =	simm.s32 $0x0  }
0x4: {  	[smem:$0x7FF] =	sst s1;
	s12 =	sadd.s32 $0xC00, s3;
	s4 =	sand.u32 $0x1, s4  }
0x5: {  	s13 =	sadd.s32 $0x40C00, s3;
	s6 =	sshll.u32 s2, $0xE;
	s5 =	ssub.s32 $0x2, s4  }
0x6: {  	s14 =	sadd.s32 $0x80C00, s3;
	s4 =	sshll.u32 s4, $0xD;
	s31 =	sshrl.u32 s5, $0x1  }
0x7: {  	_ =	strace $0x80000047;
	s11 =	sor.u32 s4, s6;
	s15 =	ssub.s32 s5, s31  }
0x8: {  	s3 =	sadd.s32 s12, s11;
	s8 =	sor.u32 $0x800, s11;
	s4 =	sadd.s32 s13, s11  }
0x9: {  	s5 =	sadd.s32 s14, s11;
	s16 =	sor.u32 $0x1000, s11;
	s17 =	sor.u32 $0x1800, s11  }
0xa: {  	v0 =	vlaneseq.u32;
	s6 =	sadd.s32 s12, s8;
	s7 =	sadd.s32 s13, s8;
	s8 =	sadd.s32 s14, s8  }
0xb: {  	v0 =	vmul.u32 $0xFFFFFFFF, v0;
	s9 =	sadd.s32 s12, s16;
	s10 =	sadd.s32 s13, s16;
	s11 =	sadd.s32 s14, s16  }
0xc: {  	s12 =	sadd.s32 s12, s17;
	s13 =	sadd.s32 s13, s17;
	s14 =	sadd.s32 s14, s17  }
0xd: {  	v0 =	vadd.s32 $0xF, v0;
	s15 =	smax.u32 s15, $0x1;
	s16 =	simm.s32 $0x1;
	s17 =	simm.s32 $0x4000  }
.LBB2_1:
0xe: {  	[tilespmem:s1], [sflag:$0x1] =	stream.linear.gather [hbm4b:s3+s1], $0x4000, $0x38;
	[tilespmem:$0xC000] =	vst v63  }
0xf: {  	_ =	swait.ge [sflag:s16], $0x4000  }
0x10: {  	[sflag:s16] =	ssyncset.done $0x0  }
0x11: {  	[sflag:s16] =	ssyncadd.s32 $0xFFFFC000  }
0x12: {  	[tilespmem:s17], [sflag:$0x1] =	stream.linear.gather [hbm4b:s4+s1], $0x4000, $0x38;
	[tilespmem:$0xC000] =	vst v63  }
0x13: {  	_ =	swait.ge [sflag:s16], $0x4000  }
0x14: {  	[sflag:s16] =	ssyncset.done $0x0  }
0x15: {  	s23 =	simm.s32 $0x0;
	[sflag:s16] =	ssyncadd.s32 $0xFFFFC000  }
0x16: {  	v1 =	vld [tilespmem:s23+$0x4010]  }
0x17: {  	v2 =	vld [tilespmem:s23+$0x10]  }
0x18: {  	v3 =	vld [tilespmem:s23+$0x30]  }
0x19: {  	v4 =	vld [tilespmem:s23+$0x4030]  }
0x1a: {  	v5 =	vld [tilespmem:s23+$0x20]  }
0x1b: {  	v6 =	vld [tilespmem:s23+$0x4020]  }
0x1c: {  	v7 =	vld [tilespmem:s23+$0x0]  }
0x1d: {  	s20 =	simm.s32 $0x80;
	v8 =	vld [tilespmem:s23+$0x4000]  }
0x1e: {  	v9 =	vld [tilespmem:s20+$0x4010]  }
0x1f: {  	v10 =	vld [tilespmem:s20+$0x10];
	v3 =	vperm.xlane v3, v0  }
0x20: {  	v11 =	vld [tilespmem:s20+$0x30];
	v4 =	vperm.xlane v4, v0  }
0x21: {  	v12 =	vld [tilespmem:s20+$0x4030];
	v2 =	vperm.xlane v2, v0;
	vm0 =	vge.f32 v5, v3  }
0x22: {  	v13 =	vld [tilespmem:s20+$0x20];
	v1 =	vperm.xlane v1, v0;
	v3 =	vsel vm0, v5, v3;
	v4 =	vsel vm0, v6, v4  }
0x23: {  	v14 =	vld [tilespmem:s20+$0x4020];
	vm0 =	vge.f32 v7, v2;
	(xrf1) =	vsort.dscd.msk.f32 $0xffff, v3, v4  }
0x24: {  	v5 =	vld [tilespmem:s20+$0x0];
	v2 =	vsel vm0, v7, v2;
	v1 =	vsel vm0, v8, v1  }
0x25: {  	s21 =	simm.s32 $0x100;
	v3 =	vld [tilespmem:s20+$0x4000];
	(xrf1) =	vsort.dscd.msk.f32 $0xffff, v2, v1  }
0x26: {  	v7 =	vld [tilespmem:s21+$0x30];
	v1 =	vperm.xlane v11, v0  }
0x27: {  	v6 =	vperm.xlane v12, v0;
	v8 =	vperm.xlane v10, v0;
	v10 =	vld [tilespmem:s21+$0x4030]  }
0x28: {  	v9 =	vperm.xlane v9, v0;
	v11 =	vld [tilespmem:s21+$0x20];
	vm0 =	vge.f32 v13, v1  }
0x29: {  	v4 =	vld [tilespmem:s21+$0x4010];
	v1 =	vsel vm0, v13, v1;
	v6 =	vsel vm0, v14, v6;
	vm0 =	vge.f32 v5, v8  }
0x2a: {  	(xrf1) =	vsort.dscd.msk.f32 $0xffff, v1, v6;
	v1 =	vld [tilespmem:s21+$0x4020];
	v5 =	vsel vm0, v5, v8;
	v3 =	vsel vm0, v3, v9  }
0x2b: {  	s22 =	simm.s32 $0x180;
	v2 =	vld [tilespmem:s21+$0x10];
	(xrf1) =	vsort.dscd.msk.f32 $0xffff, v5, v3;
	v5 =	vperm.xlane v7, v0  }
0x2c: {  	v12 =	vld [tilespmem:s22+$0x4020]  }
0x2d: {  	v6 =	vld [tilespmem:s21+$0x0];
	v8 =	vperm.xlane v10, v0;
	vm0 =	vge.f32 v11, v5  }
0x2e: {  	v3 =	vld [tilespmem:s21+$0x4000];
	v5 =	vsel vm0, v11, v5  }
0x2f: {  	v10 =	vld [tilespmem:s22+$0x30];
	v4 =	vperm.xlane v4, v0;
	v1 =	vsel vm0, v1, v8  }
0x30: {  	v8 =	vld [tilespmem:s22+$0x4030];
	(xrf1) =	vsort.dscd.msk.f32 $0xffff, v5, v1;
	v1 =	vperm.xlane v2, v0  }
0x31: {  	v2 =	vld [tilespmem:s22+$0x20];
	v5, v11, _ =	vpop (xrf1)  }
0x32: {  	v9 =	vld [tilespmem:s22+$0x10];
	vm0 =	vge.f32 v6, v1;
	v5 =	vperm.xlane v5, v0  }
0x33: {  	v7 =	vld [tilespmem:s22+$0x4010];
	v1 =	vsel vm0, v6, v1;
	v3 =	vsel vm0, v3, v4;
	v11 =	vperm.xlane v11, v0;
	v4, v6, _ =	vpop (xrf1)  }
0x34: {  	(xrf1) =	vsort.dscd.msk.f32 $0xffff, v1, v3;
	v1 =	vperm.xlane v10, v0;
	vm0 =	vge.f32 v4, v5  }
0x35: {  	v13 =	vld [tilespmem:s22+$0x0];
	v3 =	vsel vm0, v4, v5;
	v5 =	vperm.xlane v8, v0  }
0x36: {  	v14 =	vld [tilespmem:s22+$0x4000];
	v4 =	vsel vm0, v6, v11;
	vm0 =	vge.f32 v2, v1  }
0x37: {  	v1 =	vsel vm0, v2, v1;
	v2 =	vsel vm0, v12, v5  }
0x38: {  	v6 =	vperm.xlane v7, v0;
	(xrf1) =	vsort.dscd.msk.f32 $0xffff, v3, v4;
	v4 =	vperm.xlane v9, v0;
	v3, v7, _ =	vpop (xrf1)  }
0x39: {  	s24 =	simm.s32 $0x200;
	v11 =	vperm.xlane v3, v0  }
0x3a: {  	v15 =	vld [tilespmem:s24+$0x4010];
	vm0 =	vge.f32 v13, v4;
	(xrf1) =	vsort.dscd.msk.f32 $0xffff, v1, v2;
	v1 =	vperm.xlane v7, v0;
	v2, v7, _ =	vpop (xrf1)  }
0x3b: {  	v10 =	vld [tilespmem:s24+$0x4030];
	v4 =	vsel vm0, v13, v4;
	v6 =	vsel vm0, v14, v6;
	vm0 =	vge.f32 v2, v11  }
0x3c: {  	v9 =	vld [tilespmem:s24+$0x30];
	(xrf1) =	vsort.dscd.msk.f32 $0xffff, v4, v6;
	v2 =	vsel vm0, v2, v11;
	v1 =	vsel vm0, v7, v1  }
0x3d: {  	v8 =	vld [tilespmem:s24+$0x10];
	(xrf1) =	vsort.dscd.msk.f32 $0xffff, v2, v1  }
0x3e: {  	v3 =	vld [tilespmem:s24+$0x20]  }
0x3f: {  	v5 =	vld [tilespmem:s24+$0x4020]  }
0x40: {  	v4 =	vld [tilespmem:s24+$0x0]  }
0x41: {  	s25 =	simm.s32 $0x280;
	v6 =	vld [tilespmem:s24+$0x4000];
	v9 =	vperm.xlane v9, v0  }
0x42: {  	v10 =	vperm.xlane v10, v0;
	v2 =	vld [tilespmem:s25+$0x4010]  }
0x43: {  	s26 =	simm.s32 $0xC00;
	v7 =	vperm.xlane v8, v0;
	v8 =	vperm.xlane v15, v0;
	v1 =	vld [tilespmem:s25+$0x10];
	vm0 =	vge.f32 v3, v9;
	v12, v11, _ =	vpop (xrf1)  }
.LBB2_2:
0x44: {  	p0 =	sne.s32 s26, $0xFE00;
	v13 =	vld [tilespmem:s25+$0x30];
	v3 =	vsel vm0, v3, v9;
	v5 =	vsel vm0, v5, v10;
	v9 =	vperm.xlane v12, v0  }
0x45: {  	v11 =	vperm.xlane v11, v0;
	v10 =	vld [tilespmem:s25+$0x4030];
	vm0 =	vge.f32 v4, v7;
	(xrf1) =	vsort.dscd.msk.f32 $0xffff, v3, v5;
	v12, v14, _ =	vpop (xrf1)  }
0x46: {  	v3 =	vld [tilespmem:s25+$0x20];
	v4 =	vsel vm0, v4, v7;
	v6 =	vsel vm0, v6, v8;
	vm0 =	vge.f32 v12, v9;
	_, v7, _ =	vpop (xrf1)  }
.Ltmp0:
0x47: {  	v5 =	vld [tilespmem:s25+$0x4020];
	(xrf1) =	vsort.dscd.msk.f32 $0xffff, v4, v6;
	v6 =	vsel vm0, v12, v9;
	v9 =	vsel vm0, v14, v11;
	[tilespmem:s23+$0x8000] =	vst v7;
	s23 =	smov.u32 s20;
	s20 =	smov.u32 s21;
	(pc) =	sbr.rel @p0 .LBB2_2-.Ltmp0, $4  }
0x48: {  	v8 =	vmov v2;
	s21 =	smov.u32 s22;
	s22 =	smov.u32 s24;
	s24 =	smov.u32 s25;
	v4 =	vld [tilespmem:s25+$0x0];
	(xrf1) =	vsort.dscd.msk.f32 $0xffff, v6, v9  }
0x49: {  	s25 =	sshra.s32 s26, $0x2;
	v6 =	vld [tilespmem:s24+$0x4000];
	v9 =	vperm.xlane v13, v0  }
0x4a: {  	v2 =	vld [tilespmem:s25+$0x4010];
	v10 =	vperm.xlane v10, v0  }
0x4b: {  	s26 =	sadd.s32 $0x200, s26;
	v7 =	vperm.xlane v1, v0;
	v8 =	vperm.xlane v8, v0;
	v1 =	vld [tilespmem:s25+$0x10];
	vm0 =	vge.f32 v3, v9;
	v12, v11, _ =	vpop (xrf1)  }
0x4c: {  	v13 =	vld [tilespmem:s25+$0x30]  }
0x4d: {  	v14 =	vld [tilespmem:s25+$0x4030];
	v15, v16, _ =	vpop (xrf1)  }
0x4e: {  	v17 =	vld [tilespmem:s25+$0x20];
	v3 =	vsel vm0, v3, v9;
	v5 =	vsel vm0, v5, v10;
	_, v9, _ =	vpop (xrf1)  }
0x4f: {  	v10 =	vld [tilespmem:s25+$0x4020];
	(xrf1) =	vsort.dscd.msk.f32 $0xffff, v3, v5;
	v3 =	vperm.xlane v12, v0;
	vm0 =	vge.f32 v4, v7;
	[tilespmem:s23+$0x8000] =	vst v9  }
0x50: {  	v5 =	vperm.xlane v11, v0;
	v4 =	vsel vm0, v4, v7;
	v6 =	vsel vm0, v6, v8;
	v7 =	vld [tilespmem:s25+$0x0]  }
0x51: {  	vm0 =	vge.f32 v15, v3;
	(xrf1) =	vsort.dscd.msk.f32 $0xffff, v4, v6;
	v4 =	vld [tilespmem:s25+$0x4000];
	v6 =	vperm.xlane v13, v0  }
0x52: {  	v2 =	vperm.xlane v2, v0;
	v3 =	vsel vm0, v15, v3;
	v8 =	vperm.xlane v14, v0  }
0x53: {  	v5 =	vsel vm0, v16, v5;
	v1 =	vperm.xlane v1, v0;
	vm0 =	vge.f32 v17, v6  }
0x54: {  	(xrf1) =	vsort.dscd.msk.f32 $0xffff, v3, v5;
	v3 =	vsel vm0, v17, v6;
	v5 =	vsel vm0, v10, v8  }
0x55: {  	vm0 =	vge.f32 v7, v1;
	(xrf1) =	vsort.dscd.msk.f32 $0xffff, v3, v5  }
0x56: {  	v1 =	vsel vm0, v7, v1;
	v2 =	vsel vm0, v4, v2  }
0x57: {  	(xrf1) =	vsort.dscd.msk.f32 $0xffff, v1, v2;
	_ =	sdelay $0x5  }
0x58: {  	v1, v2, _ =	vpop (xrf1)  }
0x59: {  	v3, v4, _ =	vpop (xrf1)  }
0x5a: {  	v1 =	vperm.xlane v1, v0;
	_, v5, _ =	vpop (xrf1)  }
0x5b: {  	v2 =	vperm.xlane v2, v0;
	v6, v7, _ =	vpop (xrf1)  }
0x5c: {  	vm0 =	vge.f32 v3, v1;
	v8, v9, _ =	vpop (xrf1)  }
0x5d: {  	v2 =	vsel vm0, v4, v2;
	_, v10, _ =	vpop (xrf1)  }
0x5e: {  	v1 =	vsel vm0, v3, v1;
	v3 =	vperm.xlane v6, v0;
	v6, v11, _ =	vpop (xrf1)  }
0x5f: {  	v4 =	vperm.xlane v7, v0;
	v6 =	vperm.xlane v6, v0  }
0x60: {  	(xrf1) =	vsort.dscd.msk.f32 $0xffff, v1, v2;
	vm0 =	vge.f32 v8, v3;
	v1 =	vperm.xlane v11, v0;
	v2, v7, _ =	vpop (xrf1)  }
0x61: {  	v3 =	vsel vm0, v8, v3;
	v4 =	vsel vm0, v9, v4;
	vm0 =	vge.f32 v2, v6  }
0x62: {  	(xrf1) =	vsort.dscd.msk.f32 $0xffff, v3, v4;
	v2 =	vsel vm0, v2, v6;
	v1 =	vsel vm0, v7, v1  }
0x63: {  	(xrf1) =	vsort.dscd.msk.f32 $0xffff, v2, v1;
	_ =	sdelay $0xa  }
0x64: {  	[tilespmem:s20+$0x8000] =	vst v5  }
0x65: {  	[tilespmem:s21+$0x8000] =	vst v10;
	_, v1, _ =	vpop (xrf1)  }
0x66: {  	[tilespmem:s22+$0x8000] =	vst v1;
	_, v1, _ =	vpop (xrf1)  }
0x67: {  	[tilespmem:s24+$0x8000] =	vst v1;
	_, v1, _ =	vpop (xrf1)  }
0x68: {  	s31 =	simm.s32 $0x0;
	[tilespmem:s25+$0x8000] =	vst v1  }
0x69: {  	[hbm4b:s5+s31] =	stream.linear.scatter [tilespmem:s18], [sflag:$0x1], $0x4000, $0x38;
	[tilespmem:$0xC000] =	vst v63  }
0x6a: {  	_ =	swait.ge [sflag:s16], $0x4000  }
0x6b: {  	[sflag:s16] =	ssyncset.done $0x0  }
0x6c: {  	[sflag:s16] =	ssyncadd.s32 $0xFFFFC000  }
0x6d: {  	[tilespmem:s31], [sflag:$0x1] =	stream.linear.gather [hbm4b:s6+s31], $0x4000, $0x38;
	[tilespmem:$0xC000] =	vst v63  }
0x6e: {  	_ =	swait.ge [sflag:s16], $0x4000  }
0x6f: {  	[sflag:s16] =	ssyncset.done $0x0  }
0x70: {  	[sflag:s16] =	ssyncadd.s32 $0xFFFFC000  }
0x71: {  	[tilespmem:s17], [sflag:$0x1] =	stream.linear.gather [hbm4b:s7+s31], $0x4000, $0x38;
	[tilespmem:$0xC000] =	vst v63  }
0x72: {  	_ =	swait.ge [sflag:s16], $0x4000  }
0x73: {  	[sflag:s16] =	ssyncset.done $0x0  }
0x74: {  	s23 =	simm.s32 $0x0;
	[sflag:s16] =	ssyncadd.s32 $0xFFFFC000  }
0x75: {  	v1 =	vld [tilespmem:s23+$0x4010]  }
0x76: {  	v2 =	vld [tilespmem:s23+$0x10]  }
0x77: {  	v3 =	vld [tilespmem:s23+$0x30]  }
0x78: {  	v4 =	vld [tilespmem:s23+$0x4030]  }
0x79: {  	v5 =	vld [tilespmem:s23+$0x20]  }
0x7a: {  	v6 =	vld [tilespmem:s23+$0x4020]  }
0x7b: {  	v7 =	vld [tilespmem:s23+$0x0]  }
0x7c: {  	s20 =	simm.s32 $0x80;
	v8 =	vld [tilespmem:s23+$0x4000]  }
0x7d: {  	v9 =	vld [tilespmem:s20+$0x4010]  }
0x7e: {  	v10 =	vld [tilespmem:s20+$0x10];
	v3 =	vperm.xlane v3, v0  }
0x7f: {  	v11 =	vld [tilespmem:s20+$0x30];
	v4 =	vperm.xlane v4, v0  }
0x80: {  	v12 =	vld [tilespmem:s20+$0x4030];
	v2 =	vperm.xlane v2, v0;
	vm0 =	vge.f32 v5, v3  }
0x81: {  	v13 =	vld [tilespmem:s20+$0x20];
	v1 =	vperm.xlane v1, v0;
	v3 =	vsel vm0, v5, v3;
	v4 =	vsel vm0, v6, v4  }
0x82: {  	v14 =	vld [tilespmem:s20+$0x4020];
	vm0 =	vge.f32 v7, v2;
	(xrf1) =	vsort.dscd.msk.f32 $0xffff, v3, v4  }
0x83: {  	v5 =	vld [tilespmem:s20+$0x0];
	v2 =	vsel vm0, v7, v2;
	v1 =	vsel vm0, v8, v1  }
0x84: {  	s21 =	simm.s32 $0x100;
	v3 =	vld [tilespmem:s20+$0x4000];
	(xrf1) =	vsort.dscd.msk.f32 $0xffff, v2, v1  }
0x85: {  	v7 =	vld [tilespmem:s21+$0x30];
	v1 =	vperm.xlane v11, v0  }
0x86: {  	v6 =	vperm.xlane v12, v0;
	v8 =	vperm.xlane v10, v0;
	v10 =	vld [tilespmem:s21+$0x4030]  }
0x87: {  	v9 =	vperm.xlane v9, v0;
	v11 =	vld [tilespmem:s21+$0x20];
	vm0 =	vge.f32 v13, v1  }
0x88: {  	v4 =	vld [tilespmem:s21+$0x4010];
	v1 =	vsel vm0, v13, v1;
	v6 =	vsel vm0, v14, v6;
	vm0 =	vge.f32 v5, v8  }
0x89: {  	(xrf1) =	vsort.dscd.msk.f32 $0xffff, v1, v6;
	v1 =	vld [tilespmem:s21+$0x4020];
	v5 =	vsel vm0, v5, v8;
	v3 =	vsel vm0, v3, v9  }
0x8a: {  	s22 =	simm.s32 $0x180;
	v2 =	vld [tilespmem:s21+$0x10];
	(xrf1) =	vsort.dscd.msk.f32 $0xffff, v5, v3;
	v5 =	vperm.xlane v7, v0  }
0x8b: {  	v12 =	vld [tilespmem:s22+$0x4020]  }
0x8c: {  	v6 =	vld [tilespmem:s21+$0x0];
	v8 =	vperm.xlane v10, v0;
	vm0 =	vge.f32 v11, v5  }
0x8d: {  	v3 =	vld [tilespmem:s21+$0x4000];
	v5 =	vsel vm0, v11, v5  }
0x8e: {  	v10 =	vld [tilespmem:s22+$0x30];
	v4 =	vperm.xlane v4, v0;
	v1 =	vsel vm0, v1, v8  }
0x8f: {  	v8 =	vld [tilespmem:s22+$0x4030];
	(xrf1) =	vsort.dscd.msk.f32 $0xffff, v5, v1;
	v1 =	vperm.xlane v2, v0  }
0x90: {  	v2 =	vld [tilespmem:s22+$0x20];
	v5, v11, _ =	vpop (xrf1)  }
0x91: {  	v9 =	vld [tilespmem:s22+$0x10];
	vm0 =	vge.f32 v6, v1;
	v5 =	vperm.xlane v5, v0  }
0x92: {  	v7 =	vld [tilespmem:s22+$0x4010];
	v1 =	vsel vm0, v6, v1;
	v3 =	vsel vm0, v3, v4;
	v11 =	vperm.xlane v11, v0;
	v4, v6, _ =	vpop (xrf1)  }
0x93: {  	(xrf1) =	vsort.dscd.msk.f32 $0xffff, v1, v3;
	v1 =	vperm.xlane v10, v0;
	vm0 =	vge.f32 v4, v5  }
0x94: {  	v13 =	vld [tilespmem:s22+$0x0];
	v3 =	vsel vm0, v4, v5;
	v5 =	vperm.xlane v8, v0  }
0x95: {  	v14 =	vld [tilespmem:s22+$0x4000];
	v4 =	vsel vm0, v6, v11;
	vm0 =	vge.f32 v2, v1  }
0x96: {  	v1 =	vsel vm0, v2, v1;
	v2 =	vsel vm0, v12, v5  }
0x97: {  	v6 =	vperm.xlane v7, v0;
	(xrf1) =	vsort.dscd.msk.f32 $0xffff, v3, v4;
	v4 =	vperm.xlane v9, v0;
	v3, v7, _ =	vpop (xrf1)  }
0x98: {  	s24 =	simm.s32 $0x200;
	v11 =	vperm.xlane v3, v0  }
0x99: {  	v15 =	vld [tilespmem:s24+$0x4010];
	vm0 =	vge.f32 v13, v4;
	(xrf1) =	vsort.dscd.msk.f32 $0xffff, v1, v2;
	v1 =	vperm.xlane v7, v0;
	v2, v7, _ =	vpop (xrf1)  }
0x9a: {  	v10 =	vld [tilespmem:s24+$0x4030];
	v4 =	vsel vm0, v13, v4;
	v6 =	vsel vm0, v14, v6;
	vm0 =	vge.f32 v2, v11  }
0x9b: {  	v9 =	vld [tilespmem:s24+$0x30];
	(xrf1) =	vsort.dscd.msk.f32 $0xffff, v4, v6;
	v2 =	vsel vm0, v2, v11;
	v1 =	vsel vm0, v7, v1  }
0x9c: {  	v8 =	vld [tilespmem:s24+$0x10];
	(xrf1) =	vsort.dscd.msk.f32 $0xffff, v2, v1  }
0x9d: {  	v3 =	vld [tilespmem:s24+$0x20]  }
0x9e: {  	v5 =	vld [tilespmem:s24+$0x4020]  }
0x9f: {  	v4 =	vld [tilespmem:s24+$0x0]  }
0xa0: {  	s25 =	simm.s32 $0x280;
	v6 =	vld [tilespmem:s24+$0x4000];
	v9 =	vperm.xlane v9, v0  }
0xa1: {  	v10 =	vperm.xlane v10, v0;
	v2 =	vld [tilespmem:s25+$0x4010]  }
0xa2: {  	s26 =	simm.s32 $0xC00;
	v7 =	vperm.xlane v8, v0;
	v8 =	vperm.xlane v15, v0;
	v1 =	vld [tilespmem:s25+$0x10];
	vm0 =	vge.f32 v3, v9;
	v12, v11, _ =	vpop (xrf1)  }
.LBB2_4:
0xa3: {  	p0 =	sne.s32 s26, $0xFE00;
	v13 =	vld [tilespmem:s25+$0x30];
	v3 =	vsel vm0, v3, v9;
	v5 =	vsel vm0, v5, v10;
	v9 =	vperm.xlane v12, v0  }
0xa4: {  	v11 =	vperm.xlane v11, v0;
	v10 =	vld [tilespmem:s25+$0x4030];
	vm0 =	vge.f32 v4, v7;
	(xrf1) =	vsort.dscd.msk.f32 $0xffff, v3, v5;
	v12, v14, _ =	vpop (xrf1)  }
0xa5: {  	v3 =	vld [tilespmem:s25+$0x20];
	v4 =	vsel vm0, v4, v7;
	v6 =	vsel vm0, v6, v8;
	vm0 =	vge.f32 v12, v9;
	_, v7, _ =	vpop (xrf1)  }
.Ltmp1:
0xa6: {  	v5 =	vld [tilespmem:s25+$0x4020];
	(xrf1) =	vsort.dscd.msk.f32 $0xffff, v4, v6;
	v6 =	vsel vm0, v12, v9;
	v9 =	vsel vm0, v14, v11;
	[tilespmem:s23+$0x8000] =	vst v7;
	s23 =	smov.u32 s20;
	s20 =	smov.u32 s21;
	(pc) =	sbr.rel @p0 .LBB2_4-.Ltmp1, $4  }
0xa7: {  	v8 =	vmov v2;
	s21 =	smov.u32 s22;
	s22 =	smov.u32 s24;
	s24 =	smov.u32 s25;
	v4 =	vld [tilespmem:s25+$0x0];
	(xrf1) =	vsort.dscd.msk.f32 $0xffff, v6, v9  }
0xa8: {  	s25 =	sshra.s32 s26, $0x2;
	v6 =	vld [tilespmem:s24+$0x4000];
	v9 =	vperm.xlane v13, v0  }
0xa9: {  	v2 =	vld [tilespmem:s25+$0x4010];
	v10 =	vperm.xlane v10, v0  }
0xaa: {  	s26 =	sadd.s32 $0x200, s26;
	v7 =	vperm.xlane v1, v0;
	v8 =	vperm.xlane v8, v0;
	v1 =	vld [tilespmem:s25+$0x10];
	vm0 =	vge.f32 v3, v9;
	v12, v11, _ =	vpop (xrf1)  }
0xab: {  	v13 =	vld [tilespmem:s25+$0x30]  }
0xac: {  	v14 =	vld [tilespmem:s25+$0x4030];
	v15, v16, _ =	vpop (xrf1)  }
0xad: {  	v17 =	vld [tilespmem:s25+$0x20];
	v3 =	vsel vm0, v3, v9;
	v5 =	vsel vm0, v5, v10;
	_, v9, _ =	vpop (xrf1)  }
0xae: {  	v10 =	vld [tilespmem:s25+$0x4020];
	(xrf1) =	vsort.dscd.msk.f32 $0xffff, v3, v5;
	v3 =	vperm.xlane v12, v0;
	vm0 =	vge.f32 v4, v7;
	[tilespmem:s23+$0x8000] =	vst v9  }
0xaf: {  	v5 =	vperm.xlane v11, v0;
	v4 =	vsel vm0, v4, v7;
	v6 =	vsel vm0, v6, v8;
	v7 =	vld [tilespmem:s25+$0x0]  }
0xb0: {  	vm0 =	vge.f32 v15, v3;
	(xrf1) =	vsort.dscd.msk.f32 $0xffff, v4, v6;
	v4 =	vld [tilespmem:s25+$0x4000];
	v6 =	vperm.xlane v13, v0  }
0xb1: {  	v2 =	vperm.xlane v2, v0;
	v3 =	vsel vm0, v15, v3;
	v8 =	vperm.xlane v14, v0  }
0xb2: {  	v5 =	vsel vm0, v16, v5;
	v1 =	vperm.xlane v1, v0;
	vm0 =	vge.f32 v17, v6  }
0xb3: {  	(xrf1) =	vsort.dscd.msk.f32 $0xffff, v3, v5;
	v3 =	vsel vm0, v17, v6;
	v5 =	vsel vm0, v10, v8  }
0xb4: {  	vm0 =	vge.f32 v7, v1;
	(xrf1) =	vsort.dscd.msk.f32 $0xffff, v3, v5  }
0xb5: {  	v1 =	vsel vm0, v7, v1;
	v2 =	vsel vm0, v4, v2  }
0xb6: {  	(xrf1) =	vsort.dscd.msk.f32 $0xffff, v1, v2;
	_ =	sdelay $0x5  }
0xb7: {  	v1, v2, _ =	vpop (xrf1)  }
0xb8: {  	v3, v4, _ =	vpop (xrf1)  }
0xb9: {  	v1 =	vperm.xlane v1, v0;
	_, v5, _ =	vpop (xrf1)  }
0xba: {  	v2 =	vperm.xlane v2, v0;
	v6, v7, _ =	vpop (xrf1)  }
0xbb: {  	vm0 =	vge.f32 v3, v1;
	v8, v9, _ =	vpop (xrf1)  }
0xbc: {  	v2 =	vsel vm0, v4, v2;
	_, v10, _ =	vpop (xrf1)  }
0xbd: {  	v1 =	vsel vm0, v3, v1;
	v3 =	vperm.xlane v6, v0;
	v6, v11, _ =	vpop (xrf1)  }
0xbe: {  	v4 =	vperm.xlane v7, v0;
	v6 =	vperm.xlane v6, v0  }
0xbf: {  	(xrf1) =	vsort.dscd.msk.f32 $0xffff, v1, v2;
	vm0 =	vge.f32 v8, v3;
	v1 =	vperm.xlane v11, v0;
	v2, v7, _ =	vpop (xrf1)  }
0xc0: {  	v3 =	vsel vm0, v8, v3;
	v4 =	vsel vm0, v9, v4;
	vm0 =	vge.f32 v2, v6  }
0xc1: {  	(xrf1) =	vsort.dscd.msk.f32 $0xffff, v3, v4;
	v2 =	vsel vm0, v2, v6;
	v1 =	vsel vm0, v7, v1  }
0xc2: {  	(xrf1) =	vsort.dscd.msk.f32 $0xffff, v2, v1;
	_ =	sdelay $0xa  }
0xc3: {  	[tilespmem:s20+$0x8000] =	vst v5  }
0xc4: {  	[tilespmem:s21+$0x8000] =	vst v10;
	_, v1, _ =	vpop (xrf1)  }
0xc5: {  	[tilespmem:s22+$0x8000] =	vst v1;
	_, v1, _ =	vpop (xrf1)  }
0xc6: {  	[tilespmem:s24+$0x8000] =	vst v1;
	_, v1, _ =	vpop (xrf1)  }
0xc7: {  	s31 =	simm.s32 $0x0;
	[tilespmem:s25+$0x8000] =	vst v1  }
0xc8: {  	[hbm4b:s8+s31] =	stream.linear.scatter [tilespmem:s18], [sflag:$0x1], $0x4000, $0x38;
	[tilespmem:$0xC000] =	vst v63  }
0xc9: {  	_ =	swait.ge [sflag:s16], $0x4000  }
0xca: {  	[sflag:s16] =	ssyncset.done $0x0  }
0xcb: {  	[sflag:s16] =	ssyncadd.s32 $0xFFFFC000  }
0xcc: {  	[tilespmem:s31], [sflag:$0x1] =	stream.linear.gather [hbm4b:s9+s31], $0x4000, $0x38;
	[tilespmem:$0xC000] =	vst v63  }
0xcd: {  	_ =	swait.ge [sflag:s16], $0x4000  }
0xce: {  	[sflag:s16] =	ssyncset.done $0x0  }
0xcf: {  	[sflag:s16] =	ssyncadd.s32 $0xFFFFC000  }
0xd0: {  	[tilespmem:s17], [sflag:$0x1] =	stream.linear.gather [hbm4b:s10+s31], $0x4000, $0x38;
	[tilespmem:$0xC000] =	vst v63  }
0xd1: {  	_ =	swait.ge [sflag:s16], $0x4000  }
0xd2: {  	[sflag:s16] =	ssyncset.done $0x0  }
0xd3: {  	s23 =	simm.s32 $0x0;
	[sflag:s16] =	ssyncadd.s32 $0xFFFFC000  }
0xd4: {  	v1 =	vld [tilespmem:s23+$0x4010]  }
0xd5: {  	v2 =	vld [tilespmem:s23+$0x10]  }
0xd6: {  	v3 =	vld [tilespmem:s23+$0x30]  }
0xd7: {  	v4 =	vld [tilespmem:s23+$0x4030]  }
0xd8: {  	v5 =	vld [tilespmem:s23+$0x20]  }
0xd9: {  	v6 =	vld [tilespmem:s23+$0x4020]  }
0xda: {  	v7 =	vld [tilespmem:s23+$0x0]  }
0xdb: {  	s20 =	simm.s32 $0x80;
	v8 =	vld [tilespmem:s23+$0x4000]  }
0xdc: {  	v9 =	vld [tilespmem:s20+$0x4010]  }
0xdd: {  	v10 =	vld [tilespmem:s20+$0x10];
	v3 =	vperm.xlane v3, v0  }
0xde: {  	v11 =	vld [tilespmem:s20+$0x30];
	v4 =	vperm.xlane v4, v0  }
0xdf: {  	v12 =	vld [tilespmem:s20+$0x4030];
	v2 =	vperm.xlane v2, v0;
	vm0 =	vge.f32 v5, v3  }
0xe0: {  	v13 =	vld [tilespmem:s20+$0x20];
	v1 =	vperm.xlane v1, v0;
	v3 =	vsel vm0, v5, v3;
	v4 =	vsel vm0, v6, v4  }
0xe1: {  	v14 =	vld [tilespmem:s20+$0x4020];
	vm0 =	vge.f32 v7, v2;
	(xrf1) =	vsort.dscd.msk.f32 $0xffff, v3, v4  }
0xe2: {  	v5 =	vld [tilespmem:s20+$0x0];
	v2 =	vsel vm0, v7, v2;
	v1 =	vsel vm0, v8, v1  }
0xe3: {  	s21 =	simm.s32 $0x100;
	v3 =	vld [tilespmem:s20+$0x4000];
	(xrf1) =	vsort.dscd.msk.f32 $0xffff, v2, v1  }
0xe4: {  	v7 =	vld [tilespmem:s21+$0x30];
	v1 =	vperm.xlane v11, v0  }
0xe5: {  	v6 =	vperm.xlane v12, v0;
	v8 =	vperm.xlane v10, v0;
	v10 =	vld [tilespmem:s21+$0x4030]  }
0xe6: {  	v9 =	vperm.xlane v9, v0;
	v11 =	vld [tilespmem:s21+$0x20];
	vm0 =	vge.f32 v13, v1  }
0xe7: {  	v4 =	vld [tilespmem:s21+$0x4010];
	v1 =	vsel vm0, v13, v1;
	v6 =	vsel vm0, v14, v6;
	vm0 =	vge.f32 v5, v8  }
0xe8: {  	(xrf1) =	vsort.dscd.msk.f32 $0xffff, v1, v6;
	v1 =	vld [tilespmem:s21+$0x4020];
	v5 =	vsel vm0, v5, v8;
	v3 =	vsel vm0, v3, v9  }
0xe9: {  	s22 =	simm.s32 $0x180;
	v2 =	vld [tilespmem:s21+$0x10];
	(xrf1) =	vsort.dscd.msk.f32 $0xffff, v5, v3;
	v5 =	vperm.xlane v7, v0  }
0xea: {  	v12 =	vld [tilespmem:s22+$0x4020]  }
0xeb: {  	v6 =	vld [tilespmem:s21+$0x0];
	v8 =	vperm.xlane v10, v0;
	vm0 =	vge.f32 v11, v5  }
0xec: {  	v3 =	vld [tilespmem:s21+$0x4000];
	v5 =	vsel vm0, v11, v5  }
0xed: {  	v10 =	vld [tilespmem:s22+$0x30];
	v4 =	vperm.xlane v4, v0;
	v1 =	vsel vm0, v1, v8  }
0xee: {  	v8 =	vld [tilespmem:s22+$0x4030];
	(xrf1) =	vsort.dscd.msk.f32 $0xffff, v5, v1;
	v1 =	vperm.xlane v2, v0  }
0xef: {  	v2 =	vld [tilespmem:s22+$0x20];
	v5, v11, _ =	vpop (xrf1)  }
0xf0: {  	v9 =	vld [tilespmem:s22+$0x10];
	vm0 =	vge.f32 v6, v1;
	v5 =	vperm.xlane v5, v0  }
0xf1: {  	v7 =	vld [tilespmem:s22+$0x4010];
	v1 =	vsel vm0, v6, v1;
	v3 =	vsel vm0, v3, v4;
	v11 =	vperm.xlane v11, v0;
	v4, v6, _ =	vpop (xrf1)  }
0xf2: {  	(xrf1) =	vsort.dscd.msk.f32 $0xffff, v1, v3;
	v1 =	vperm.xlane v10, v0;
	vm0 =	vge.f32 v4, v5  }
0xf3: {  	v13 =	vld [tilespmem:s22+$0x0];
	v3 =	vsel vm0, v4, v5;
	v5 =	vperm.xlane v8, v0  }
0xf4: {  	v14 =	vld [tilespmem:s22+$0x4000];
	v4 =	vsel vm0, v6, v11;
	vm0 =	vge.f32 v2, v1  }
0xf5: {  	v1 =	vsel vm0, v2, v1;
	v2 =	vsel vm0, v12, v5  }
0xf6: {  	v6 =	vperm.xlane v7, v0;
	(xrf1) =	vsort.dscd.msk.f32 $0xffff, v3, v4;
	v4 =	vperm.xlane v9, v0;
	v3, v7, _ =	vpop (xrf1)  }
0xf7: {  	s24 =	simm.s32 $0x200;
	v11 =	vperm.xlane v3, v0  }
0xf8: {  	v15 =	vld [tilespmem:s24+$0x4010];
	vm0 =	vge.f32 v13, v4;
	(xrf1) =	vsort.dscd.msk.f32 $0xffff, v1, v2;
	v1 =	vperm.xlane v7, v0;
	v2, v7, _ =	vpop (xrf1)  }
0xf9: {  	v10 =	vld [tilespmem:s24+$0x4030];
	v4 =	vsel vm0, v13, v4;
	v6 =	vsel vm0, v14, v6;
	vm0 =	vge.f32 v2, v11  }
0xfa: {  	v9 =	vld [tilespmem:s24+$0x30];
	(xrf1) =	vsort.dscd.msk.f32 $0xffff, v4, v6;
	v2 =	vsel vm0, v2, v11;
	v1 =	vsel vm0, v7, v1  }
0xfb: {  	v8 =	vld [tilespmem:s24+$0x10];
	(xrf1) =	vsort.dscd.msk.f32 $0xffff, v2, v1  }
0xfc: {  	v3 =	vld [tilespmem:s24+$0x20]  }
0xfd: {  	v5 =	vld [tilespmem:s24+$0x4020]  }
0xfe: {  	v4 =	vld [tilespmem:s24+$0x0]  }
0xff: {  	s25 =	simm.s32 $0x280;
	v6 =	vld [tilespmem:s24+$0x4000];
	v9 =	vperm.xlane v9, v0  }
0x100: {  	v10 =	vperm.xlane v10, v0;
	v2 =	vld [tilespmem:s25+$0x4010]  }
0x101: {  	s26 =	simm.s32 $0xC00;
	v7 =	vperm.xlane v8, v0;
	v8 =	vperm.xlane v15, v0;
	v1 =	vld [tilespmem:s25+$0x10];
	vm0 =	vge.f32 v3, v9;
	v12, v11, _ =	vpop (xrf1)  }
.LBB2_6:
0x102: {  	p0 =	sne.s32 s26, $0xFE00;
	v13 =	vld [tilespmem:s25+$0x30];
	v3 =	vsel vm0, v3, v9;
	v5 =	vsel vm0, v5, v10;
	v9 =	vperm.xlane v12, v0  }
0x103: {  	v11 =	vperm.xlane v11, v0;
	v10 =	vld [tilespmem:s25+$0x4030];
	vm0 =	vge.f32 v4, v7;
	(xrf1) =	vsort.dscd.msk.f32 $0xffff, v3, v5;
	v12, v14, _ =	vpop (xrf1)  }
0x104: {  	v3 =	vld [tilespmem:s25+$0x20];
	v4 =	vsel vm0, v4, v7;
	v6 =	vsel vm0, v6, v8;
	vm0 =	vge.f32 v12, v9;
	_, v7, _ =	vpop (xrf1)  }
.Ltmp2:
0x105: {  	v5 =	vld [tilespmem:s25+$0x4020];
	(xrf1) =	vsort.dscd.msk.f32 $0xffff, v4, v6;
	v6 =	vsel vm0, v12, v9;
	v9 =	vsel vm0, v14, v11;
	[tilespmem:s23+$0x8000] =	vst v7;
	s23 =	smov.u32 s20;
	s20 =	smov.u32 s21;
	(pc) =	sbr.rel @p0 .LBB2_6-.Ltmp2, $4  }
0x106: {  	v8 =	vmov v2;
	s21 =	smov.u32 s22;
	s22 =	smov.u32 s24;
	s24 =	smov.u32 s25;
	v4 =	vld [tilespmem:s25+$0x0];
	(xrf1) =	vsort.dscd.msk.f32 $0xffff, v6, v9  }
0x107: {  	s25 =	sshra.s32 s26, $0x2;
	v6 =	vld [tilespmem:s24+$0x4000];
	v9 =	vperm.xlane v13, v0  }
0x108: {  	v2 =	vld [tilespmem:s25+$0x4010];
	v10 =	vperm.xlane v10, v0  }
0x109: {  	s26 =	sadd.s32 $0x200, s26;
	v7 =	vperm.xlane v1, v0;
	v8 =	vperm.xlane v8, v0;
	v1 =	vld [tilespmem:s25+$0x10];
	vm0 =	vge.f32 v3, v9;
	v12, v11, _ =	vpop (xrf1)  }
0x10a: {  	v13 =	vld [tilespmem:s25+$0x30]  }
0x10b: {  	v14 =	vld [tilespmem:s25+$0x4030];
	v15, v16, _ =	vpop (xrf1)  }
0x10c: {  	v17 =	vld [tilespmem:s25+$0x20];
	v3 =	vsel vm0, v3, v9;
	v5 =	vsel vm0, v5, v10;
	_, v9, _ =	vpop (xrf1)  }
0x10d: {  	v10 =	vld [tilespmem:s25+$0x4020];
	(xrf1) =	vsort.dscd.msk.f32 $0xffff, v3, v5;
	v3 =	vperm.xlane v12, v0;
	vm0 =	vge.f32 v4, v7;
	[tilespmem:s23+$0x8000] =	vst v9  }
0x10e: {  	v5 =	vperm.xlane v11, v0;
	v4 =	vsel vm0, v4, v7;
	v6 =	vsel vm0, v6, v8;
	v7 =	vld [tilespmem:s25+$0x0]  }
0x10f: {  	vm0 =	vge.f32 v15, v3;
	(xrf1) =	vsort.dscd.msk.f32 $0xffff, v4, v6;
	v4 =	vld [tilespmem:s25+$0x4000];
	v6 =	vperm.xlane v13, v0  }
0x110: {  	v2 =	vperm.xlane v2, v0;
	v3 =	vsel vm0, v15, v3;
	v8 =	vperm.xlane v14, v0  }
0x111: {  	v5 =	vsel vm0, v16, v5;
	v1 =	vperm.xlane v1, v0;
	vm0 =	vge.f32 v17, v6  }
0x112: {  	(xrf1) =	vsort.dscd.msk.f32 $0xffff, v3, v5;
	v3 =	vsel vm0, v17, v6;
	v5 =	vsel vm0, v10, v8  }
0x113: {  	vm0 =	vge.f32 v7, v1;
	(xrf1) =	vsort.dscd.msk.f32 $0xffff, v3, v5  }
0x114: {  	v1 =	vsel vm0, v7, v1;
	v2 =	vsel vm0, v4, v2  }
0x115: {  	(xrf1) =	vsort.dscd.msk.f32 $0xffff, v1, v2;
	_ =	sdelay $0x5  }
0x116: {  	v1, v2, _ =	vpop (xrf1)  }
0x117: {  	v3, v4, _ =	vpop (xrf1)  }
0x118: {  	v1 =	vperm.xlane v1, v0;
	_, v5, _ =	vpop (xrf1)  }
0x119: {  	v2 =	vperm.xlane v2, v0;
	v6, v7, _ =	vpop (xrf1)  }
0x11a: {  	vm0 =	vge.f32 v3, v1;
	v8, v9, _ =	vpop (xrf1)  }
0x11b: {  	v2 =	vsel vm0, v4, v2;
	_, v10, _ =	vpop (xrf1)  }
0x11c: {  	v1 =	vsel vm0, v3, v1;
	v3 =	vperm.xlane v6, v0;
	v6, v11, _ =	vpop (xrf1)  }
0x11d: {  	v4 =	vperm.xlane v7, v0;
	v6 =	vperm.xlane v6, v0  }
0x11e: {  	(xrf1) =	vsort.dscd.msk.f32 $0xffff, v1, v2;
	vm0 =	vge.f32 v8, v3;
	v1 =	vperm.xlane v11, v0;
	v2, v7, _ =	vpop (xrf1)  }
0x11f: {  	v3 =	vsel vm0, v8, v3;
	v4 =	vsel vm0, v9, v4;
	vm0 =	vge.f32 v2, v6  }
0x120: {  	(xrf1) =	vsort.dscd.msk.f32 $0xffff, v3, v4;
	v2 =	vsel vm0, v2, v6;
	v1 =	vsel vm0, v7, v1  }
0x121: {  	(xrf1) =	vsort.dscd.msk.f32 $0xffff, v2, v1;
	_ =	sdelay $0xa  }
0x122: {  	[tilespmem:s20+$0x8000] =	vst v5  }
0x123: {  	[tilespmem:s21+$0x8000] =	vst v10;
	_, v1, _ =	vpop (xrf1)  }
0x124: {  	[tilespmem:s22+$0x8000] =	vst v1;
	_, v1, _ =	vpop (xrf1)  }
0x125: {  	[tilespmem:s24+$0x8000] =	vst v1;
	_, v1, _ =	vpop (xrf1)  }
0x126: {  	s31 =	simm.s32 $0x0;
	[tilespmem:s25+$0x8000] =	vst v1  }
0x127: {  	[hbm4b:s11+s31] =	stream.linear.scatter [tilespmem:s18], [sflag:$0x1], $0x4000, $0x38;
	[tilespmem:$0xC000] =	vst v63  }
0x128: {  	_ =	swait.ge [sflag:s16], $0x4000  }
0x129: {  	[sflag:s16] =	ssyncset.done $0x0  }
0x12a: {  	[sflag:s16] =	ssyncadd.s32 $0xFFFFC000  }
0x12b: {  	[tilespmem:s31], [sflag:$0x1] =	stream.linear.gather [hbm4b:s12+s31], $0x4000, $0x38;
	[tilespmem:$0xC000] =	vst v63  }
0x12c: {  	_ =	swait.ge [sflag:s16], $0x4000  }
0x12d: {  	[sflag:s16] =	ssyncset.done $0x0  }
0x12e: {  	[sflag:s16] =	ssyncadd.s32 $0xFFFFC000  }
0x12f: {  	[tilespmem:s17], [sflag:$0x1] =	stream.linear.gather [hbm4b:s13+s31], $0x4000, $0x38;
	[tilespmem:$0xC000] =	vst v63  }
0x130: {  	_ =	swait.ge [sflag:s16], $0x4000  }
0x131: {  	[sflag:s16] =	ssyncset.done $0x0  }
0x132: {  	s23 =	simm.s32 $0x0;
	[sflag:s16] =	ssyncadd.s32 $0xFFFFC000  }
0x133: {  	v1 =	vld [tilespmem:s23+$0x4010]  }
0x134: {  	v2 =	vld [tilespmem:s23+$0x10]  }
0x135: {  	v3 =	vld [tilespmem:s23+$0x30]  }
0x136: {  	v4 =	vld [tilespmem:s23+$0x4030]  }
0x137: {  	v5 =	vld [tilespmem:s23+$0x20]  }
0x138: {  	v6 =	vld [tilespmem:s23+$0x4020]  }
0x139: {  	v7 =	vld [tilespmem:s23+$0x0]  }
0x13a: {  	s20 =	simm.s32 $0x80;
	v8 =	vld [tilespmem:s23+$0x4000]  }
0x13b: {  	v9 =	vld [tilespmem:s20+$0x4010]  }
0x13c: {  	v10 =	vld [tilespmem:s20+$0x10];
	v3 =	vperm.xlane v3, v0  }
0x13d: {  	v11 =	vld [tilespmem:s20+$0x30];
	v4 =	vperm.xlane v4, v0  }
0x13e: {  	v12 =	vld [tilespmem:s20+$0x4030];
	v2 =	vperm.xlane v2, v0;
	vm0 =	vge.f32 v5, v3  }
0x13f: {  	v13 =	vld [tilespmem:s20+$0x20];
	v1 =	vperm.xlane v1, v0;
	v3 =	vsel vm0, v5, v3;
	v4 =	vsel vm0, v6, v4  }
0x140: {  	v14 =	vld [tilespmem:s20+$0x4020];
	vm0 =	vge.f32 v7, v2;
	(xrf1) =	vsort.dscd.msk.f32 $0xffff, v3, v4  }
0x141: {  	v5 =	vld [tilespmem:s20+$0x0];
	v2 =	vsel vm0, v7, v2;
	v1 =	vsel vm0, v8, v1  }
0x142: {  	s21 =	simm.s32 $0x100;
	v3 =	vld [tilespmem:s20+$0x4000];
	(xrf1) =	vsort.dscd.msk.f32 $0xffff, v2, v1  }
0x143: {  	v7 =	vld [tilespmem:s21+$0x30];
	v1 =	vperm.xlane v11, v0  }
0x144: {  	v6 =	vperm.xlane v12, v0;
	v8 =	vperm.xlane v10, v0;
	v10 =	vld [tilespmem:s21+$0x4030]  }
0x145: {  	v9 =	vperm.xlane v9, v0;
	v11 =	vld [tilespmem:s21+$0x20];
	vm0 =	vge.f32 v13, v1  }
0x146: {  	v4 =	vld [tilespmem:s21+$0x4010];
	v1 =	vsel vm0, v13, v1;
	v6 =	vsel vm0, v14, v6;
	vm0 =	vge.f32 v5, v8  }
0x147: {  	(xrf1) =	vsort.dscd.msk.f32 $0xffff, v1, v6;
	v1 =	vld [tilespmem:s21+$0x4020];
	v5 =	vsel vm0, v5, v8;
	v3 =	vsel vm0, v3, v9  }
0x148: {  	s22 =	simm.s32 $0x180;
	v2 =	vld [tilespmem:s21+$0x10];
	(xrf1) =	vsort.dscd.msk.f32 $0xffff, v5, v3;
	v5 =	vperm.xlane v7, v0  }
0x149: {  	v12 =	vld [tilespmem:s22+$0x4020]  }
0x14a: {  	v6 =	vld [tilespmem:s21+$0x0];
	v8 =	vperm.xlane v10, v0;
	vm0 =	vge.f32 v11, v5  }
0x14b: {  	v3 =	vld [tilespmem:s21+$0x4000];
	v5 =	vsel vm0, v11, v5  }
0x14c: {  	v10 =	vld [tilespmem:s22+$0x30];
	v4 =	vperm.xlane v4, v0;
	v1 =	vsel vm0, v1, v8  }
0x14d: {  	v8 =	vld [tilespmem:s22+$0x4030];
	(xrf1) =	vsort.dscd.msk.f32 $0xffff, v5, v1;
	v1 =	vperm.xlane v2, v0  }
0x14e: {  	v2 =	vld [tilespmem:s22+$0x20];
	v5, v11, _ =	vpop (xrf1)  }
0x14f: {  	v9 =	vld [tilespmem:s22+$0x10];
	vm0 =	vge.f32 v6, v1;
	v5 =	vperm.xlane v5, v0  }
0x150: {  	v7 =	vld [tilespmem:s22+$0x4010];
	v1 =	vsel vm0, v6, v1;
	v3 =	vsel vm0, v3, v4;
	v11 =	vperm.xlane v11, v0;
	v4, v6, _ =	vpop (xrf1)  }
0x151: {  	(xrf1) =	vsort.dscd.msk.f32 $0xffff, v1, v3;
	v1 =	vperm.xlane v10, v0;
	vm0 =	vge.f32 v4, v5  }
0x152: {  	v13 =	vld [tilespmem:s22+$0x0];
	v3 =	vsel vm0, v4, v5;
	v5 =	vperm.xlane v8, v0  }
0x153: {  	v14 =	vld [tilespmem:s22+$0x4000];
	v4 =	vsel vm0, v6, v11;
	vm0 =	vge.f32 v2, v1  }
0x154: {  	v1 =	vsel vm0, v2, v1;
	v2 =	vsel vm0, v12, v5  }
0x155: {  	v6 =	vperm.xlane v7, v0;
	(xrf1) =	vsort.dscd.msk.f32 $0xffff, v3, v4;
	v4 =	vperm.xlane v9, v0;
	v3, v7, _ =	vpop (xrf1)  }
0x156: {  	s24 =	simm.s32 $0x200;
	v12 =	vperm.xlane v3, v0  }
0x157: {  	v10 =	vld [tilespmem:s24+$0x4010];
	vm0 =	vge.f32 v13, v4;
	(xrf1) =	vsort.dscd.msk.f32 $0xffff, v1, v2;
	v1 =	vperm.xlane v7, v0;
	v2, v7, _ =	vpop (xrf1)  }
0x158: {  	v8 =	vld [tilespmem:s24+$0x10];
	v4 =	vsel vm0, v13, v4;
	v6 =	vsel vm0, v14, v6;
	vm0 =	vge.f32 v2, v12  }
0x159: {  	v9 =	vld [tilespmem:s24+$0x30];
	(xrf1) =	vsort.dscd.msk.f32 $0xffff, v4, v6;
	v2 =	vsel vm0, v2, v12;
	v1 =	vsel vm0, v7, v1  }
0x15a: {  	v11 =	vld [tilespmem:s24+$0x4030];
	(xrf1) =	vsort.dscd.msk.f32 $0xffff, v2, v1  }
0x15b: {  	v3 =	vld [tilespmem:s24+$0x20]  }
0x15c: {  	v5 =	vld [tilespmem:s24+$0x4020]  }
0x15d: {  	v4 =	vld [tilespmem:s24+$0x0]  }
0x15e: {  	s25 =	simm.s32 $0x280;
	v6 =	vld [tilespmem:s24+$0x4000];
	v9 =	vperm.xlane v9, v0  }
0x15f: {  	v11 =	vperm.xlane v11, v0;
	v2 =	vld [tilespmem:s25+$0x4010]  }
0x160: {  	s26 =	simm.s32 $0xC00;
	v7 =	vperm.xlane v8, v0;
	v8 =	vperm.xlane v10, v0;
	v1 =	vld [tilespmem:s25+$0x10];
	v12, v10, _ =	vpop (xrf1);
	vm0 =	vge.f32 v3, v9  }
.LBB2_8:
0x161: {  	p0 =	sne.s32 s26, $0xFE00;
	v13 =	vld [tilespmem:s25+$0x30];
	v3 =	vsel vm0, v3, v9;
	v5 =	vsel vm0, v5, v11;
	v9 =	vperm.xlane v12, v0  }
0x162: {  	v10 =	vperm.xlane v10, v0;
	v11 =	vld [tilespmem:s25+$0x4030];
	vm0 =	vge.f32 v4, v7;
	(xrf1) =	vsort.dscd.msk.f32 $0xffff, v3, v5;
	v12, v14, _ =	vpop (xrf1)  }
0x163: {  	v3 =	vld [tilespmem:s25+$0x20];
	v4 =	vsel vm0, v4, v7;
	v6 =	vsel vm0, v6, v8;
	vm0 =	vge.f32 v12, v9;
	_, v7, _ =	vpop (xrf1)  }
.Ltmp3:
0x164: {  	v5 =	vld [tilespmem:s25+$0x4020];
	(xrf1) =	vsort.dscd.msk.f32 $0xffff, v4, v6;
	v6 =	vsel vm0, v12, v9;
	v9 =	vsel vm0, v14, v10;
	[tilespmem:s23+$0x8000] =	vst v7;
	s23 =	smov.u32 s20;
	s20 =	smov.u32 s21;
	(pc) =	sbr.rel @p0 .LBB2_8-.Ltmp3, $4  }
0x165: {  	v8 =	vmov v2;
	s21 =	smov.u32 s22;
	s22 =	smov.u32 s24;
	s24 =	smov.u32 s25;
	v4 =	vld [tilespmem:s25+$0x0];
	(xrf1) =	vsort.dscd.msk.f32 $0xffff, v6, v9  }
0x166: {  	s25 =	sshra.s32 s26, $0x2;
	v6 =	vld [tilespmem:s24+$0x4000];
	v9 =	vperm.xlane v13, v0  }
0x167: {  	v2 =	vld [tilespmem:s25+$0x4010];
	v11 =	vperm.xlane v11, v0  }
0x168: {  	s26 =	sadd.s32 $0x200, s26;
	v7 =	vperm.xlane v1, v0;
	v8 =	vperm.xlane v8, v0;
	v1 =	vld [tilespmem:s25+$0x10];
	vm0 =	vge.f32 v3, v9;
	v12, v10, _ =	vpop (xrf1)  }
0x169: {  	v13 =	vld [tilespmem:s25+$0x30]  }
0x16a: {  	v14 =	vld [tilespmem:s25+$0x4030];
	v15, v16, _ =	vpop (xrf1)  }
0x16b: {  	v17 =	vld [tilespmem:s25+$0x20];
	v3 =	vsel vm0, v3, v9;
	v5 =	vsel vm0, v5, v11;
	_, v45, _ =	vpop (xrf1)  }
0x16c: {  	v46 =	vld [tilespmem:s25+$0x4020];
	(xrf1) =	vsort.dscd.msk.f32 $0xffff, v3, v5;
	v3 =	vperm.xlane v12, v0;
	vm9 =	vge.f32 v4, v7;
	[tilespmem:s23+$0x8000] =	vst v45  }
0x16d: {  	v47 =	vperm.xlane v10, v0;
	v4 =	vsel vm9, v4, v7;
	v6 =	vsel vm9, v6, v8;
	v48 =	vld [tilespmem:s25+$0x0]  }
0x16e: {  	vm10 =	vge.f32 v15, v3;
	(xrf1) =	vsort.dscd.msk.f32 $0xffff, v4, v6;
	v49 =	vld [tilespmem:s25+$0x4000];
	v50 =	vperm.xlane v13, v0  }
0x16f: {  	v2 =	vperm.xlane v2, v0;
	v3 =	vsel vm10, v15, v3;
	v51 =	vperm.xlane v14, v0  }
0x170: {  	v5 =	vsel vm10, v16, v47;
	v1 =	vperm.xlane v1, v0;
	vm11 =	vge.f32 v17, v50  }
0x171: {  	(xrf1) =	vsort.dscd.msk.f32 $0xffff, v3, v5;
	v3 =	vsel vm11, v17, v50;
	v52 =	vsel vm11, v46, v51  }
0x172: {  	vm12 =	vge.f32 v48, v1;
	(xrf1) =	vsort.dscd.msk.f32 $0xffff, v3, v52  }
0x173: {  	v1 =	vsel vm12, v48, v1;
	v2 =	vsel vm12, v49, v2  }
0x174: {  	(xrf1) =	vsort.dscd.msk.f32 $0xffff, v1, v2;
	_ =	sdelay $0x5  }
0x175: {  	v1, v2, _ =	vpop (xrf1)  }
0x176: {  	v3, v53, _ =	vpop (xrf1)  }
0x177: {  	v1 =	vperm.xlane v1, v0;
	_, v54, _ =	vpop (xrf1)  }
0x178: {  	v2 =	vperm.xlane v2, v0;
	v55, v56, _ =	vpop (xrf1)  }
0x179: {  	vm13 =	vge.f32 v3, v1;
	v58, v57, _ =	vpop (xrf1)  }
0x17a: {  	v2 =	vsel vm13, v53, v2;
	_, v59, _ =	vpop (xrf1)  }
0x17b: {  	v1 =	vsel vm13, v3, v1;
	v3 =	vperm.xlane v55, v0;
	v61, v60, _ =	vpop (xrf1)  }
0x17c: {  	v62 =	vperm.xlane v56, v0;
	v6 =	vperm.xlane v61, v0  }
0x17d: {  	(xrf1) =	vsort.dscd.msk.f32 $0xffff, v1, v2;
	vm14 =	vge.f32 v58, v3;
	v1 =	vperm.xlane v60, v0;
	v2, v63, _ =	vpop (xrf1)  }
0x17e: {  	v3 =	vsel vm14, v58, v3;
	v4 =	vsel vm14, v57, v62;
	vm15 =	vge.f32 v2, v6  }
0x17f: {  	(xrf1) =	vsort.dscd.msk.f32 $0xffff, v3, v4;
	v2 =	vsel vm15, v2, v6;
	v1 =	vsel vm15, v63, v1  }
0x180: {  	(xrf1) =	vsort.dscd.msk.f32 $0xffff, v2, v1;
	_ =	sdelay $0xa  }
0x181: {  	[tilespmem:s20+$0x8000] =	vst v54  }
0x182: {  	[tilespmem:s21+$0x8000] =	vst v59;
	_, v1, _ =	vpop (xrf1)  }
0x183: {  	s19 =	sadd.s32 $0x1, s19;
	[tilespmem:s22+$0x8000] =	vst v1;
	_, v1, _ =	vpop (xrf1)  }
0x184: {  	p0 =	sne.s32 s19, s15;
	[tilespmem:s24+$0x8000] =	vst v1;
	_, v1, _ =	vpop (xrf1)  }
.Ltmp4:
0x185: {  	[tilespmem:s25+$0x8000] =	vst v1;
	(pc) =	sbr.rel @p0 .LBB2_1-.Ltmp4, $4  }
0x186: {  	[hbm4b:s14+s1] =	stream.linear.scatter [tilespmem:s18], [sflag:$0x1], $0x4000, $0x38;
	[tilespmem:$0xC000] =	vst v63  }
0x187: {  	_ =	swait.ge [sflag:s16], $0x4000  }
0x188: {  	[sflag:s16] =	ssyncset.done $0x0  }
0x189: {  	[sflag:s16] =	ssyncadd.s32 $0xFFFFC000  }
0x18a: {  	_ =	sfence.sel $0x180000  }
0x18b: {  	[bflag:$0x0] =	sbarrier.arrive $0xFFFF  }
0x18c: {  	p0 =	sne.s32 s2, $0x0;
	_ =	strace $0x90000047  }
0x18d: {  	s0 =	sadd.s32 @!p0 $0x100000, s0;
	[bflag:$0x2] =	sbarrier.arrive $0xFFFF  }
0x18e: {  	[sflag:s0] =	ssyncadd.tile.s32 @!p0 $0x1;
	_ =	shalt  }
.Lfunc_end2:
_tile_overlayer_lowered:
.L_overlay_start_2:
0x18f: {  	(tag) =	ssettag $0x2  }
0x190: {  	s0 =	rddreg [dreg:$0x0];
	s2 =	stileid.u32  }
0x191: {  	s1 =	rddreg [dreg:$0x1];
	p0 =	sne.s32 s2, $0x0  }
0x192: {  	s3 =	rddreg [dreg:$0x2];
	[bflag:$0x3] =	sbarrier.arrive $0xFFFF;
	s2 =	simm.s32 @!p0 $0x1C01  }
0x193: {  	[timem:s3], [sflag:s2] =	dma.local @!p0 [hbm:s0], s1  }
0x194: {  	s0 =	simm.s32 @!p0 $0x1  }
0x195: {  	_ =	swait.ge @!p0 [sflag:s0], s1  }
0x196: {  	s1 =	ssub.s32 @!p0 $0x0, s1;
	[sflag:s0] =	ssyncset.done @!p0 $0x0  }
0x197: {  	[sflag:s0] =	ssyncadd.s32 @!p0 s1  }
0x198: {  	[bflag:$0x3] =	sbarrier.arrive $0xFFFF  }
0x199: {  	_ =	shalt  }

</sc_bundles>
